<compile_context>
chip_gen: v7x
topology: tpu7x:2x2x1
jax: 0.10.2.dev20260603
libtpu: 0.0.44.dev20260713+nightly
codegen_flags: <defaults>
</compile_context>

<pallas_src>
import functools

import jax
import jax.numpy as jnp
from jax import lax
from jax.experimental import pallas as pl
from jax.experimental.pallas import tpu as pltpu
from jax.experimental.pallas import tpu_sc as plsc

N = 10000
E = 320000
D = 128

NC = 2
NS = 16
DH = D // NC

CHUNK = 128
EPW = E // NS
FULL_CHUNKS = EPW // CHUNK
TAIL = EPW - FULL_CHUNKS * CHUNK
RPT = N // NS

NBUF = 4
ROUNDS = FULL_CHUNKS // NBUF


def _mm_body(x_ref, w_ref, b_ref, y_ref):
    y_ref[...] = (
        lax.dot_general(x_ref[...], w_ref[...], (((1,), (1,)), ((), ())),
                        preferred_element_type=jnp.float32)
        + b_ref[0]
    )


_MM_BM = 1000


def _linear(x, W, b2):
    nb = N // _MM_BM
    return pl.pallas_call(
        _mm_body,
        grid=(NC, nb),
        in_specs=[
            pl.BlockSpec((_MM_BM, D), lambda c, i: (i, 0)),
            pl.BlockSpec((DH, D), lambda c, i: (c, 0)),
            pl.BlockSpec((1, 1, DH), lambda c, i: (c, 0, 0)),
        ],
        out_specs=pl.BlockSpec((_MM_BM, DH), lambda c, i: (c * nb + i, 0)),
        out_shape=jax.ShapeDtypeStruct((NC * N, DH), jnp.float32),
    )(x, W, b2)


@functools.partial(
    pl.kernel,
    mesh=plsc.VectorSubcoreMesh(core_axis_name="c", subcore_axis_name="s"),
    out_type=jax.ShapeDtypeStruct((N, D), jnp.float32),
    compiler_params=pltpu.CompilerParams(use_tc_tiling_on_sc=False),
    scratch_types=[
        pltpu.VMEM((2 * NBUF, CHUNK), jnp.int32),
        pltpu.VMEM((2 * NBUF, CHUNK), jnp.int32),
        pltpu.VMEM((NBUF, CHUNK, DH), jnp.float32),
        pltpu.VMEM((TAIL,), jnp.int32),
        pltpu.VMEM((TAIL,), jnp.int32),
        pltpu.VMEM((TAIL, DH), jnp.float32),
        pltpu.VMEM_SHARED((N, DH), jnp.float32),
        pltpu.VMEM_SHARED((N, DH), jnp.float32),
        pltpu.SemaphoreType.DMA((2 * NBUF,)),
        pltpu.SemaphoreType.DMA((NBUF,)),
        pltpu.SemaphoreType.DMA((NBUF,)),
    ],
)
def _sc_aggregate(y_hbm, ei_hbm, out_hbm,
                  sidx, didx, rows, tsidx, tdidx, trow,
                  y_sh, acc_sh, isem, gsem, ssem):
    c = lax.axis_index("c")
    s = lax.axis_index("s")
    ebase = pl.multiple_of(s * EPW, 8)

    def idx_start(i, b):
        off = pl.multiple_of(ebase + i * CHUNK, 8)
        pltpu.async_copy(ei_hbm.at[0, pl.ds(off, CHUNK)], sidx.at[b],
                         isem.at[b])
        pltpu.async_copy(ei_hbm.at[1, pl.ds(off, CHUNK)], didx.at[b],
                         isem.at[b])

    def idx_wait(i, b):
        off = pl.multiple_of(ebase + i * CHUNK, 8)
        pltpu.make_async_copy(
            ei_hbm.at[0, pl.ds(off, CHUNK)], sidx.at[b], isem.at[b]).wait()
        pltpu.make_async_copy(
            ei_hbm.at[1, pl.ds(off, CHUNK)], didx.at[b], isem.at[b]).wait()

    for b in range(2 * NBUF):
        idx_start(b, b)

    def zrow(r, _):
        for k in range(DH // 16):
            rows[0, r, pl.ds(k * 16, 16)] = jnp.zeros((16,), jnp.float32)
        return 0

    lax.fori_loop(0, CHUNK, zrow, 0)
    r0 = s * RPT
    for j in range(4):
        pltpu.sync_copy(rows.at[0],
                        acc_sh.at[pl.ds(r0 + j * CHUNK, CHUNK)])
    pltpu.sync_copy(rows.at[0, pl.ds(0, RPT - 4 * CHUNK)],
                    acc_sh.at[pl.ds(r0 + 4 * CHUNK, RPT - 4 * CHUNK)])

    pltpu.sync_copy(y_hbm.at[pl.ds(c * N + r0, RPT)], y_sh.at[pl.ds(r0, RPT)])
    plsc.subcore_barrier()

    def round_body(r, _):
        outer = r * NBUF
        par = lax.rem(r, 2) * NBUF
        for b in range(NBUF):
            i = outer + b
            idx_wait(i, par + b)
            pltpu.async_copy(y_sh.at[sidx.at[par + b]], rows.at[b],
                             gsem.at[b])
        for b in range(NBUF):
            pltpu.make_async_copy(
                y_sh.at[sidx.at[par + b]], rows.at[b], gsem.at[b]).wait()
            pltpu.async_copy(rows.at[b], acc_sh.at[didx.at[par + b]],
                             ssem.at[b], add=True)
        for b in range(NBUF):
            i = outer + b
            pltpu.make_async_copy(
                rows.at[b], acc_sh.at[didx.at[par + b]], ssem.at[b]).wait()

            @pl.when(r < ROUNDS - 2)
            def _():
                idx_start(i + 2 * NBUF, par + b)
        return 0

    lax.fori_loop(0, ROUNDS, round_body, 0)

    toff = pl.multiple_of(ebase + FULL_CHUNKS * CHUNK, 8)
    pltpu.sync_copy(ei_hbm.at[0, pl.ds(toff, TAIL)], tsidx)
    pltpu.sync_copy(ei_hbm.at[1, pl.ds(toff, TAIL)], tdidx)
    pltpu.sync_copy(y_sh.at[tsidx], trow)
    pltpu.sync_copy(trow, acc_sh.at[tdidx], add=True)

    plsc.subcore_barrier()

    pltpu.sync_copy(acc_sh.at[pl.ds(r0, RPT)],
                    out_hbm.at[pl.ds(r0, RPT), pl.ds(c * DH, DH)])


def kernel(x, edge_index, W, b):
    y = _linear(x, W, b.reshape(NC, 1, DH))
    return _sc_aggregate(y, edge_index)

# --- scband reference (transcript-rebuilt; emitter-appended) ---
"""Pipeline reference for scband-sum-aggregator-66245575573682 (READ-ONLY COPY).

The authoritative reference and input builder live on the scoring server;
editing this copy changes nothing except your own understanding.
"""

import jax, jax.numpy as jnp
import numpy as np

N = 10000
E = 320000
D_IN = 128
D_OUT = 128

def setup_inputs(seed: int = 0) -> dict:
    key = jax.random.key(seed)
    k1, k2, k3, k4 = jax.random.split(key, 4)
    x = jax.random.normal(k1, (N, D_IN), dtype=jnp.float32)
    edge_index = jax.random.randint(k2, (2, E), 0, N, dtype=jnp.int32)
    # Linear layer params sized per init_kwargs (in=128, out=128, bias=True)
    W = jax.random.normal(k3, (D_OUT, D_IN), dtype=jnp.float32) * (1.0 / np.sqrt(D_IN))
    b = jax.random.normal(k4, (D_OUT,), dtype=jnp.float32) * 0.01
    return {"x": x, "edge_index": edge_index, "W": W, "b": b}

def reference(x, edge_index, W, b):
    # SumAggregator.forward: linear then spmm (sum aggregation over edges)
    y = x @ W.T + b
    src = edge_index[0]
    dst = edge_index[1]
    # spmm(graph, y): out[dst] += y[src]  (adjacency @ features)
    msgs = jnp.take(y, src, axis=0)
    out = jax.ops.segment_sum(msgs, dst, num_segments=N)
    return out

if __name__ == "__main__":
    import jax
    _d = setup_inputs()
    print(jax.jit(kernel)(*tuple(_d.values())))

</pallas_src>

<mosaic_0001>
#map = affine_map<(d0, d1) -> (0, 0)>
module attributes {stable_mosaic.version = 14 : i64} {
  func.func @_sc_aggregate(%arg0: i32, %arg1: i32, %arg2: memref<20000x64xf32, #tpu.memory_space<hbm>>, %arg3: memref<2x320000xi32, #tpu.memory_space<hbm>>, %arg4: memref<10000x128xf32, #tpu.memory_space<hbm>>, %arg5: memref<8x128xi32, #tpu.memory_space<vmem>>, %arg6: memref<8x128xi32, #tpu.memory_space<vmem>>, %arg7: memref<4x128x64xf32, #tpu.memory_space<vmem>>, %arg8: memref<32xi32, #tpu.memory_space<vmem>>, %arg9: memref<32xi32, #tpu.memory_space<vmem>>, %arg10: memref<32x64xf32, #tpu.memory_space<vmem>>, %arg11: memref<10000x64xf32, #tpu.memory_space<vmem_shared>>, %arg12: memref<10000x64xf32, #tpu.memory_space<vmem_shared>>, %arg13: memref<8x!tpu.dma_semaphore, #tpu.memory_space<semaphore_mem>>, %arg14: memref<4x!tpu.dma_semaphore, #tpu.memory_space<semaphore_mem>>, %arg15: memref<4x!tpu.dma_semaphore, #tpu.memory_space<semaphore_mem>>) attributes {dimension_semantics = [#tpu.dimension_semantics<core_parallel>, #tpu.dimension_semantics<subcore_parallel>], iteration_bounds = array<i64: 2, 16>, scalar_prefetch = 0 : i64, scratch_operands = 11 : i64, tpu.core_type = #tpu.core_type<sc_vector_subcore>, window_params = [{transform_indices = #map}, {transform_indices = #map}, {transform_indices = #map}]} {
    %mul3A = arith.constant 20000 : i32
    %mul3A_0 = arith.muli %arg1, %mul3A : i32
    %multiple_of3A = tpu.assume_multiple %mul3A_0, 8 : i32
    %add3A = arith.constant 0 : i32
    %add3A_1 = arith.addi %multiple_of3A, %add3A : i32
    %multiple_of3A_2 = tpu.assume_multiple %add3A_1, 8 : i32
    %dma_start3A = arith.constant 0 : i32
    %dma_start3A_3 = arith.constant 0 : i32
    %dma_start3A_4 = arith.constant 0 : i32
    %dma_start3A_5 = arith.constant 0 : i32
    %dma_start3A_6 = tpu.memref_slice %arg5[%dma_start3A_3, %dma_start3A_5] : memref<8x128xi32, #tpu.memory_space<vmem>> -> memref<1x128xi32, #tpu.memory_space<vmem>>
    %dma_start3A_7 = tpu.memref_squeeze %dma_start3A_6 : memref<1x128xi32, #tpu.memory_space<vmem>> -> memref<128xi32, #tpu.memory_space<vmem>>
    %dma_start3A_8 = tpu.memref_slice %arg3[%dma_start3A, %multiple_of3A_2] : memref<2x320000xi32, #tpu.memory_space<hbm>> -> memref<1x128xi32, #tpu.memory_space<hbm>>
    %dma_start3A_9 = tpu.memref_squeeze %dma_start3A_8 : memref<1x128xi32, #tpu.memory_space<hbm>> -> memref<128xi32, #tpu.memory_space<hbm>>
    %dma_start3A_10 = tpu.memref_slice %arg13[%dma_start3A_4] : memref<8x!tpu.dma_semaphore, #tpu.memory_space<semaphore_mem>> -> memref<1x!tpu.dma_semaphore, #tpu.memory_space<semaphore_mem>>
    %dma_start3A_11 = tpu.memref_squeeze %dma_start3A_10 : memref<1x!tpu.dma_semaphore, #tpu.memory_space<semaphore_mem>> -> memref<!tpu.dma_semaphore, #tpu.memory_space<semaphore_mem>>
    %dma_start3A_12 = arith.constant 0 : i32
    %dma_start3A_13 = tpu.memref_slice %arg5[%dma_start3A_3, %dma_start3A_12] : memref<8x128xi32, #tpu.memory_space<vmem>> -> memref<1x128xi32, #tpu.memory_space<vmem>>
    %dma_start3A_14 = tpu.memref_squeeze %dma_start3A_13 : memref<1x128xi32, #tpu.memory_space<vmem>> -> memref<128xi32, #tpu.memory_space<vmem>>
    %dma_start3A_15 = tpu.memref_slice %arg3[%dma_start3A, %multiple_of3A_2] : memref<2x320000xi32, #tpu.memory_space<hbm>> -> memref<1x128xi32, #tpu.memory_space<hbm>>
    %dma_start3A_16 = tpu.memref_squeeze %dma_start3A_15 : memref<1x128xi32, #tpu.memory_space<hbm>> -> memref<128xi32, #tpu.memory_space<hbm>>
    tpu.enqueue_dma source(%dma_start3A_16 : memref<128xi32, #tpu.memory_space<hbm>>) target(%dma_start3A_14 : memref<128xi32, #tpu.memory_space<vmem>>) target_semaphore(%dma_start3A_11 : memref<!tpu.dma_semaphore, #tpu.memory_space<semaphore_mem>>)
    %dma_start3A_17 = arith.constant 1 : i32
    %dma_start3A_18 = arith.constant 0 : i32
    %dma_start3A_19 = arith.constant 0 : i32
    %dma_start3A_20 = arith.constant 0 : i32
    %dma_start3A_21 = tpu.memref_slice %arg6[%dma_start3A_18, %dma_start3A_20] : memref<8x128xi32, #tpu.memory_space<vmem>> -> memref<1x128xi32, #tpu.memory_space<vmem>>
    %dma_start3A_22 = tpu.memref_squeeze %dma_start3A_21 : memref<1x128xi32, #tpu.memory_space<vmem>> -> memref<128xi32, #tpu.memory_space<vmem>>
    %dma_start3A_23 = tpu.memref_slice %arg3[%dma_start3A_17, %multiple_of3A_2] : memref<2x320000xi32, #tpu.memory_space<hbm>> -> memref<1x128xi32, #tpu.memory_space<hbm>>
    %dma_start3A_24 = tpu.memref_squeeze %dma_start3A_23 : memref<1x128xi32, #tpu.memory_space<hbm>> -> memref<128xi32, #tpu.memory_space<hbm>>
    %dma_start3A_25 = tpu.memref_slice %arg13[%dma_start3A_19] : memref<8x!tpu.dma_semaphore, #tpu.memory_space<semaphore_mem>> -> memref<1x!tpu.dma_semaphore, #tpu.memory_space<semaphore_mem>>
    %dma_start3A_26 = tpu.memref_squeeze %dma_start3A_25 : memref<1x!tpu.dma_semaphore, #tpu.memory_space<semaphore_mem>> -> memref<!tpu.dma_semaphore, #tpu.memory_space<semaphore_mem>>
    %dma_start3A_27 = arith.constant 0 : i32
    %dma_start3A_28 = tpu.memref_slice %arg6[%dma_start3A_18, %dma_start3A_27] : memref<8x128xi32, #tpu.memory_space<vmem>> -> memref<1x128xi32, #tpu.memory_space<vmem>>
    %dma_start3A_29 = tpu.memref_squeeze %dma_start3A_28 : memref<1x128xi32, #tpu.memory_space<vmem>> -> memref<128xi32, #tpu.memory_space<vmem>>
    %dma_start3A_30 = tpu.memref_slice %arg3[%dma_start3A_17, %multiple_of3A_2] : memref<2x320000xi32, #tpu.memory_space<hbm>> -> memref<1x128xi32, #tpu.memory_space<hbm>>
    %dma_start3A_31 = tpu.memref_squeeze %dma_start3A_30 : memref<1x128xi32, #tpu.memory_space<hbm>> -> memref<128xi32, #tpu.memory_space<hbm>>
    tpu.enqueue_dma source(%dma_start3A_31 : memref<128xi32, #tpu.memory_space<hbm>>) target(%dma_start3A_29 : memref<128xi32, #tpu.memory_space<vmem>>) target_semaphore(%dma_start3A_26 : memref<!tpu.dma_semaphore, #tpu.memory_space<semaphore_mem>>)
    %add3A_32 = arith.constant 128 : i32
    %add3A_33 = arith.addi %multiple_of3A, %add3A_32 : i32
    %multiple_of3A_34 = tpu.assume_multiple %add3A_33, 8 : i32
    %dma_start3A_35 = arith.constant 0 : i32
    %dma_start3A_36 = arith.constant 1 : i32
    %dma_start3A_37 = arith.constant 1 : i32
    %dma_start3A_38 = arith.constant 0 : i32
    %dma_start3A_39 = tpu.memref_slice %arg5[%dma_start3A_36, %dma_start3A_38] : memref<8x128xi32, #tpu.memory_space<vmem>> -> memref<1x128xi32, #tpu.memory_space<vmem>>
    %dma_start3A_40 = tpu.memref_squeeze %dma_start3A_39 : memref<1x128xi32, #tpu.memory_space<vmem>> -> memref<128xi32, #tpu.memory_space<vmem>>
    %dma_start3A_41 = tpu.memref_slice %arg3[%dma_start3A_35, %multiple_of3A_34] : memref<2x320000xi32, #tpu.memory_space<hbm>> -> memref<1x128xi32, #tpu.memory_space<hbm>>
    %dma_start3A_42 = tpu.memref_squeeze %dma_start3A_41 : memref<1x128xi32, #tpu.memory_space<hbm>> -> memref<128xi32, #tpu.memory_space<hbm>>
    %dma_start3A_43 = tpu.memref_slice %arg13[%dma_start3A_37] : memref<8x!tpu.dma_semaphore, #tpu.memory_space<semaphore_mem>> -> memref<1x!tpu.dma_semaphore, #tpu.memory_space<semaphore_mem>>
    %dma_start3A_44 = tpu.memref_squeeze %dma_start3A_43 : memref<1x!tpu.dma_semaphore, #tpu.memory_space<semaphore_mem>> -> memref<!tpu.dma_semaphore, #tpu.memory_space<semaphore_mem>>
    %dma_start3A_45 = arith.constant 0 : i32
    %dma_start3A_46 = tpu.memref_slice %arg5[%dma_start3A_36, %dma_start3A_45] : memref<8x128xi32, #tpu.memory_space<vmem>> -> memref<1x128xi32, #tpu.memory_space<vmem>>
    %dma_start3A_47 = tpu.memref_squeeze %dma_start3A_46 : memref<1x128xi32, #tpu.memory_space<vmem>> -> memref<128xi32, #tpu.memory_space<vmem>>
    %dma_start3A_48 = tpu.memref_slice %arg3[%dma_start3A_35, %multiple_of3A_34] : memref<2x320000xi32, #tpu.memory_space<hbm>> -> memref<1x128xi32, #tpu.memory_space<hbm>>
    %dma_start3A_49 = tpu.memref_squeeze %dma_start3A_48 : memref<1x128xi32, #tpu.memory_space<hbm>> -> memref<128xi32, #tpu.memory_space<hbm>>
    tpu.enqueue_dma source(%dma_start3A_49 : memref<128xi32, #tpu.memory_space<hbm>>) target(%dma_start3A_47 : memref<128xi32, #tpu.memory_space<vmem>>) target_semaphore(%dma_start3A_44 : memref<!tpu.dma_semaphore, #tpu.memory_space<semaphore_mem>>)
    %dma_start3A_50 = arith.constant 1 : i32
    %dma_start3A_51 = arith.constant 1 : i32
    %dma_start3A_52 = arith.constant 1 : i32
    %dma_start3A_53 = arith.constant 0 : i32
    %dma_start3A_54 = tpu.memref_slice %arg6[%dma_start3A_51, %dma_start3A_53] : memref<8x128xi32, #tpu.memory_space<vmem>> -> memref<1x128xi32, #tpu.memory_space<vmem>>
    %dma_start3A_55 = tpu.memref_squeeze %dma_start3A_54 : memref<1x128xi32, #tpu.memory_space<vmem>> -> memref<128xi32, #tpu.memory_space<vmem>>
    %dma_start3A_56 = tpu.memref_slice %arg3[%dma_start3A_50, %multiple_of3A_34] : memref<2x320000xi32, #tpu.memory_space<hbm>> -> memref<1x128xi32, #tpu.memory_space<hbm>>
    %dma_start3A_57 = tpu.memref_squeeze %dma_start3A_56 : memref<1x128xi32, #tpu.memory_space<hbm>> -> memref<128xi32, #tpu.memory_space<hbm>>
    %dma_start3A_58 = tpu.memref_slice %arg13[%dma_start3A_52] : memref<8x!tpu.dma_semaphore, #tpu.memory_space<semaphore_mem>> -> memref<1x!tpu.dma_semaphore, #tpu.memory_space<semaphore_mem>>
    %dma_start3A_59 = tpu.memref_squeeze %dma_start3A_58 : memref<1x!tpu.dma_semaphore, #tpu.memory_space<semaphore_mem>> -> memref<!tpu.dma_semaphore, #tpu.memory_space<semaphore_mem>>
    %dma_start3A_60 = arith.constant 0 : i32
    %dma_start3A_61 = tpu.memref_slice %arg6[%dma_start3A_51, %dma_start3A_60] : memref<8x128xi32, #tpu.memory_space<vmem>> -> memref<1x128xi32, #tpu.memory_space<vmem>>
    %dma_start3A_62 = tpu.memref_squeeze %dma_start3A_61 : memref<1x128xi32, #tpu.memory_space<vmem>> -> memref<128xi32, #tpu.memory_space<vmem>>
    %dma_start3A_63 = tpu.memref_slice %arg3[%dma_start3A_50, %multiple_of3A_34] : memref<2x320000xi32, #tpu.memory_space<hbm>> -> memref<1x128xi32, #tpu.memory_space<hbm>>
    %dma_start3A_64 = tpu.memref_squeeze %dma_start3A_63 : memref<1x128xi32, #tpu.memory_space<hbm>> -> memref<128xi32, #tpu.memory_space<hbm>>
    tpu.enqueue_dma source(%dma_start3A_64 : memref<128xi32, #tpu.memory_space<hbm>>) target(%dma_start3A_62 : memref<128xi32, #tpu.memory_space<vmem>>) target_semaphore(%dma_start3A_59 : memref<!tpu.dma_semaphore, #tpu.memory_space<semaphore_mem>>)
    %add3A_65 = arith.constant 256 : i32
    %add3A_66 = arith.addi %multiple_of3A, %add3A_65 : i32
    %multiple_of3A_67 = tpu.assume_multiple %add3A_66, 8 : i32
    %dma_start3A_68 = arith.constant 0 : i32
    %dma_start3A_69 = arith.constant 2 : i32
    %dma_start3A_70 = arith.constant 2 : i32
    %dma_start3A_71 = arith.constant 0 : i32
    %dma_start3A_72 = tpu.memref_slice %arg5[%dma_start3A_69, %dma_start3A_71] : memref<8x128xi32, #tpu.memory_space<vmem>> -> memref<1x128xi32, #tpu.memory_space<vmem>>
    %dma_start3A_73 = tpu.memref_squeeze %dma_start3A_72 : memref<1x128xi32, #tpu.memory_space<vmem>> -> memref<128xi32, #tpu.memory_space<vmem>>
    %dma_start3A_74 = tpu.memref_slice %arg3[%dma_start3A_68, %multiple_of3A_67] : memref<2x320000xi32, #tpu.memory_space<hbm>> -> memref<1x128xi32, #tpu.memory_space<hbm>>
    %dma_start3A_75 = tpu.memref_squeeze %dma_start3A_74 : memref<1x128xi32, #tpu.memory_space<hbm>> -> memref<128xi32, #tpu.memory_space<hbm>>
    %dma_start3A_76 = tpu.memref_slice %arg13[%dma_start3A_70] : memref<8x!tpu.dma_semaphore, #tpu.memory_space<semaphore_mem>> -> memref<1x!tpu.dma_semaphore, #tpu.memory_space<semaphore_mem>>
    %dma_start3A_77 = tpu.memref_squeeze %dma_start3A_76 : memref<1x!tpu.dma_semaphore, #tpu.memory_space<semaphore_mem>> -> memref<!tpu.dma_semaphore, #tpu.memory_space<semaphore_mem>>
    %dma_start3A_78 = arith.constant 0 : i32
    %dma_start3A_79 = tpu.memref_slice %arg5[%dma_start3A_69, %dma_start3A_78] : memref<8x128xi32, #tpu.memory_space<vmem>> -> memref<1x128xi32, #tpu.memory_space<vmem>>
    %dma_start3A_80 = tpu.memref_squeeze %dma_start3A_79 : memref<1x128xi32, #tpu.memory_space<vmem>> -> memref<128xi32, #tpu.memory_space<vmem>>
    %dma_start3A_81 = tpu.memref_slice %arg3[%dma_start3A_68, %multiple_of3A_67] : memref<2x320000xi32, #tpu.memory_space<hbm>> -> memref<1x128xi32, #tpu.memory_space<hbm>>
    %dma_start3A_82 = tpu.memref_squeeze %dma_start3A_81 : memref<1x128xi32, #tpu.memory_space<hbm>> -> memref<128xi32, #tpu.memory_space<hbm>>
    tpu.enqueue_dma source(%dma_start3A_82 : memref<128xi32, #tpu.memory_space<hbm>>) target(%dma_start3A_80 : memref<128xi32, #tpu.memory_space<vmem>>) target_semaphore(%dma_start3A_77 : memref<!tpu.dma_semaphore, #tpu.memory_space<semaphore_mem>>)
    %dma_start3A_83 = arith.constant 1 : i32
    %dma_start3A_84 = arith.constant 2 : i32
    %dma_start3A_85 = arith.constant 2 : i32
    %dma_start3A_86 = arith.constant 0 : i32
    %dma_start3A_87 = tpu.memref_slice %arg6[%dma_start3A_84, %dma_start3A_86] : memref<8x128xi32, #tpu.memory_space<vmem>> -> memref<1x128xi32, #tpu.memory_space<vmem>>
    %dma_start3A_88 = tpu.memref_squeeze %dma_start3A_87 : memref<1x128xi32, #tpu.memory_space<vmem>> -> memref<128xi32, #tpu.memory_space<vmem>>
    %dma_start3A_89 = tpu.memref_slice %arg3[%dma_start3A_83, %multiple_of3A_67] : memref<2x320000xi32, #tpu.memory_space<hbm>> -> memref<1x128xi32, #tpu.memory_space<hbm>>
    %dma_start3A_90 = tpu.memref_squeeze %dma_start3A_89 : memref<1x128xi32, #tpu.memory_space<hbm>> -> memref<128xi32, #tpu.memory_space<hbm>>
    %dma_start3A_91 = tpu.memref_slice %arg13[%dma_start3A_85] : memref<8x!tpu.dma_semaphore, #tpu.memory_space<semaphore_mem>> -> memref<1x!tpu.dma_semaphore, #tpu.memory_space<semaphore_mem>>
    %dma_start3A_92 = tpu.memref_squeeze %dma_start3A_91 : memref<1x!tpu.dma_semaphore, #tpu.memory_space<semaphore_mem>> -> memref<!tpu.dma_semaphore, #tpu.memory_space<semaphore_mem>>
    %dma_start3A_93 = arith.constant 0 : i32
    %dma_start3A_94 = tpu.memref_slice %arg6[%dma_start3A_84, %dma_start3A_93] : memref<8x128xi32, #tpu.memory_space<vmem>> -> memref<1x128xi32, #tpu.memory_space<vmem>>
    %dma_start3A_95 = tpu.memref_squeeze %dma_start3A_94 : memref<1x128xi32, #tpu.memory_space<vmem>> -> memref<128xi32, #tpu.memory_space<vmem>>
    %dma_start3A_96 = tpu.memref_slice %arg3[%dma_start3A_83, %multiple_of3A_67] : memref<2x320000xi32, #tpu.memory_space<hbm>> -> memref<1x128xi32, #tpu.memory_space<hbm>>
    %dma_start3A_97 = tpu.memref_squeeze %dma_start3A_96 : memref<1x128xi32, #tpu.memory_space<hbm>> -> memref<128xi32, #tpu.memory_space<hbm>>
    tpu.enqueue_dma source(%dma_start3A_97 : memref<128xi32, #tpu.memory_space<hbm>>) target(%dma_start3A_95 : memref<128xi32, #tpu.memory_space<vmem>>) target_semaphore(%dma_start3A_92 : memref<!tpu.dma_semaphore, #tpu.memory_space<semaphore_mem>>)
    %add3A_98 = arith.constant 384 : i32
    %add3A_99 = arith.addi %multiple_of3A, %add3A_98 : i32
    %multiple_of3A_100 = tpu.assume_multiple %add3A_99, 8 : i32
    %dma_start3A_101 = arith.constant 0 : i32
    %dma_start3A_102 = arith.constant 3 : i32
    %dma_start3A_103 = arith.constant 3 : i32
    %dma_start3A_104 = arith.constant 0 : i32
    %dma_start3A_105 = tpu.memref_slice %arg5[%dma_start3A_102, %dma_start3A_104] : memref<8x128xi32, #tpu.memory_space<vmem>> -> memref<1x128xi32, #tpu.memory_space<vmem>>
    %dma_start3A_106 = tpu.memref_squeeze %dma_start3A_105 : memref<1x128xi32, #tpu.memory_space<vmem>> -> memref<128xi32, #tpu.memory_space<vmem>>
    %dma_start3A_107 = tpu.memref_slice %arg3[%dma_start3A_101, %multiple_of3A_100] : memref<2x320000xi32, #tpu.memory_space<hbm>> -> memref<1x128xi32, #tpu.memory_space<hbm>>
    %dma_start3A_108 = tpu.memref_squeeze %dma_start3A_107 : memref<1x128xi32, #tpu.memory_space<hbm>> -> memref<128xi32, #tpu.memory_space<hbm>>
    %dma_start3A_109 = tpu.memref_slice %arg13[%dma_start3A_103] : memref<8x!tpu.dma_semaphore, #tpu.memory_space<semaphore_mem>> -> memref<1x!tpu.dma_semaphore, #tpu.memory_space<semaphore_mem>>
    %dma_start3A_110 = tpu.memref_squeeze %dma_start3A_109 : memref<1x!tpu.dma_semaphore, #tpu.memory_space<semaphore_mem>> -> memref<!tpu.dma_semaphore, #tpu.memory_space<semaphore_mem>>
    %dma_start3A_111 = arith.constant 0 : i32
    %dma_start3A_112 = tpu.memref_slice %arg5[%dma_start3A_102, %dma_start3A_111] : memref<8x128xi32, #tpu.memory_space<vmem>> -> memref<1x128xi32, #tpu.memory_space<vmem>>
    %dma_start3A_113 = tpu.memref_squeeze %dma_start3A_112 : memref<1x128xi32, #tpu.memory_space<vmem>> -> memref<128xi32, #tpu.memory_space<vmem>>
    %dma_start3A_114 = tpu.memref_slice %arg3[%dma_start3A_101, %multiple_of3A_100] : memref<2x320000xi32, #tpu.memory_space<hbm>> -> memref<1x128xi32, #tpu.memory_space<hbm>>
    %dma_start3A_115 = tpu.memref_squeeze %dma_start3A_114 : memref<1x128xi32, #tpu.memory_space<hbm>> -> memref<128xi32, #tpu.memory_space<hbm>>
    tpu.enqueue_dma source(%dma_start3A_115 : memref<128xi32, #tpu.memory_space<hbm>>) target(%dma_start3A_113 : memref<128xi32, #tpu.memory_space<vmem>>) target_semaphore(%dma_start3A_110 : memref<!tpu.dma_semaphore, #tpu.memory_space<semaphore_mem>>)
    %dma_start3A_116 = arith.constant 1 : i32
    %dma_start3A_117 = arith.constant 3 : i32
    %dma_start3A_118 = arith.constant 3 : i32
    %dma_start3A_119 = arith.constant 0 : i32
    %dma_start3A_120 = tpu.memref_slice %arg6[%dma_start3A_117, %dma_start3A_119] : memref<8x128xi32, #tpu.memory_space<vmem>> -> memref<1x128xi32, #tpu.memory_space<vmem>>
    %dma_start3A_121 = tpu.memref_squeeze %dma_start3A_120 : memref<1x128xi32, #tpu.memory_space<vmem>> -> memref<128xi32, #tpu.memory_space<vmem>>
    %dma_start3A_122 = tpu.memref_slice %arg3[%dma_start3A_116, %multiple_of3A_100] : memref<2x320000xi32, #tpu.memory_space<hbm>> -> memref<1x128xi32, #tpu.memory_space<hbm>>
    %dma_start3A_123 = tpu.memref_squeeze %dma_start3A_122 : memref<1x128xi32, #tpu.memory_space<hbm>> -> memref<128xi32, #tpu.memory_space<hbm>>
    %dma_start3A_124 = tpu.memref_slice %arg13[%dma_start3A_118] : memref<8x!tpu.dma_semaphore, #tpu.memory_space<semaphore_mem>> -> memref<1x!tpu.dma_semaphore, #tpu.memory_space<semaphore_mem>>
    %dma_start3A_125 = tpu.memref_squeeze %dma_start3A_124 : memref<1x!tpu.dma_semaphore, #tpu.memory_space<semaphore_mem>> -> memref<!tpu.dma_semaphore, #tpu.memory_space<semaphore_mem>>
    %dma_start3A_126 = arith.constant 0 : i32
    %dma_start3A_127 = tpu.memref_slice %arg6[%dma_start3A_117, %dma_start3A_126] : memref<8x128xi32, #tpu.memory_space<vmem>> -> memref<1x128xi32, #tpu.memory_space<vmem>>
    %dma_start3A_128 = tpu.memref_squeeze %dma_start3A_127 : memref<1x128xi32, #tpu.memory_space<vmem>> -> memref<128xi32, #tpu.memory_space<vmem>>
    %dma_start3A_129 = tpu.memref_slice %arg3[%dma_start3A_116, %multiple_of3A_100] : memref<2x320000xi32, #tpu.memory_space<hbm>> -> memref<1x128xi32, #tpu.memory_space<hbm>>
    %dma_start3A_130 = tpu.memref_squeeze %dma_start3A_129 : memref<1x128xi32, #tpu.memory_space<hbm>> -> memref<128xi32, #tpu.memory_space<hbm>>
    tpu.enqueue_dma source(%dma_start3A_130 : memref<128xi32, #tpu.memory_space<hbm>>) target(%dma_start3A_128 : memref<128xi32, #tpu.memory_space<vmem>>) target_semaphore(%dma_start3A_125 : memref<!tpu.dma_semaphore, #tpu.memory_space<semaphore_mem>>)
    %add3A_131 = arith.constant 512 : i32
    %add3A_132 = arith.addi %multiple_of3A, %add3A_131 : i32
    %multiple_of3A_133 = tpu.assume_multiple %add3A_132, 8 : i32
    %dma_start3A_134 = arith.constant 0 : i32
    %dma_start3A_135 = arith.constant 4 : i32
    %dma_start3A_136 = arith.constant 4 : i32
    %dma_start3A_137 = arith.constant 0 : i32
    %dma_start3A_138 = tpu.memref_slice %arg5[%dma_start3A_135, %dma_start3A_137] : memref<8x128xi32, #tpu.memory_space<vmem>> -> memref<1x128xi32, #tpu.memory_space<vmem>>
    %dma_start3A_139 = tpu.memref_squeeze %dma_start3A_138 : memref<1x128xi32, #tpu.memory_space<vmem>> -> memref<128xi32, #tpu.memory_space<vmem>>
    %dma_start3A_140 = tpu.memref_slice %arg3[%dma_start3A_134, %multiple_of3A_133] : memref<2x320000xi32, #tpu.memory_space<hbm>> -> memref<1x128xi32, #tpu.memory_space<hbm>>
    %dma_start3A_141 = tpu.memref_squeeze %dma_start3A_140 : memref<1x128xi32, #tpu.memory_space<hbm>> -> memref<128xi32, #tpu.memory_space<hbm>>
    %dma_start3A_142 = tpu.memref_slice %arg13[%dma_start3A_136] : memref<8x!tpu.dma_semaphore, #tpu.memory_space<semaphore_mem>> -> memref<1x!tpu.dma_semaphore, #tpu.memory_space<semaphore_mem>>
    %dma_start3A_143 = tpu.memref_squeeze %dma_start3A_142 : memref<1x!tpu.dma_semaphore, #tpu.memory_space<semaphore_mem>> -> memref<!tpu.dma_semaphore, #tpu.memory_space<semaphore_mem>>
    %dma_start3A_144 = arith.constant 0 : i32
    %dma_start3A_145 = tpu.memref_slice %arg5[%dma_start3A_135, %dma_start3A_144] : memref<8x128xi32, #tpu.memory_space<vmem>> -> memref<1x128xi32, #tpu.memory_space<vmem>>
    %dma_start3A_146 = tpu.memref_squeeze %dma_start3A_145 : memref<1x128xi32, #tpu.memory_space<vmem>> -> memref<128xi32, #tpu.memory_space<vmem>>
    %dma_start3A_147 = tpu.memref_slice %arg3[%dma_start3A_134, %multiple_of3A_133] : memref<2x320000xi32, #tpu.memory_space<hbm>> -> memref<1x128xi32, #tpu.memory_space<hbm>>
    %dma_start3A_148 = tpu.memref_squeeze %dma_start3A_147 : memref<1x128xi32, #tpu.memory_space<hbm>> -> memref<128xi32, #tpu.memory_space<hbm>>
    tpu.enqueue_dma source(%dma_start3A_148 : memref<128xi32, #tpu.memory_space<hbm>>) target(%dma_start3A_146 : memref<128xi32, #tpu.memory_space<vmem>>) target_semaphore(%dma_start3A_143 : memref<!tpu.dma_semaphore, #tpu.memory_space<semaphore_mem>>)
    %dma_start3A_149 = arith.constant 1 : i32
    %dma_start3A_150 = arith.constant 4 : i32
    %dma_start3A_151 = arith.constant 4 : i32
    %dma_start3A_152 = arith.constant 0 : i32
    %dma_start3A_153 = tpu.memref_slice %arg6[%dma_start3A_150, %dma_start3A_152] : memref<8x128xi32, #tpu.memory_space<vmem>> -> memref<1x128xi32, #tpu.memory_space<vmem>>
    %dma_start3A_154 = tpu.memref_squeeze %dma_start3A_153 : memref<1x128xi32, #tpu.memory_space<vmem>> -> memref<128xi32, #tpu.memory_space<vmem>>
    %dma_start3A_155 = tpu.memref_slice %arg3[%dma_start3A_149, %multiple_of3A_133] : memref<2x320000xi32, #tpu.memory_space<hbm>> -> memref<1x128xi32, #tpu.memory_space<hbm>>
    %dma_start3A_156 = tpu.memref_squeeze %dma_start3A_155 : memref<1x128xi32, #tpu.memory_space<hbm>> -> memref<128xi32, #tpu.memory_space<hbm>>
    %dma_start3A_157 = tpu.memref_slice %arg13[%dma_start3A_151] : memref<8x!tpu.dma_semaphore, #tpu.memory_space<semaphore_mem>> -> memref<1x!tpu.dma_semaphore, #tpu.memory_space<semaphore_mem>>
    %dma_start3A_158 = tpu.memref_squeeze %dma_start3A_157 : memref<1x!tpu.dma_semaphore, #tpu.memory_space<semaphore_mem>> -> memref<!tpu.dma_semaphore, #tpu.memory_space<semaphore_mem>>
    %dma_start3A_159 = arith.constant 0 : i32
    %dma_start3A_160 = tpu.memref_slice %arg6[%dma_start3A_150, %dma_start3A_159] : memref<8x128xi32, #tpu.memory_space<vmem>> -> memref<1x128xi32, #tpu.memory_space<vmem>>
    %dma_start3A_161 = tpu.memref_squeeze %dma_start3A_160 : memref<1x128xi32, #tpu.memory_space<vmem>> -> memref<128xi32, #tpu.memory_space<vmem>>
    %dma_start3A_162 = tpu.memref_slice %arg3[%dma_start3A_149, %multiple_of3A_133] : memref<2x320000xi32, #tpu.memory_space<hbm>> -> memref<1x128xi32, #tpu.memory_space<hbm>>
    %dma_start3A_163 = tpu.memref_squeeze %dma_start3A_162 : memref<1x128xi32, #tpu.memory_space<hbm>> -> memref<128xi32, #tpu.memory_space<hbm>>
    tpu.enqueue_dma source(%dma_start3A_163 : memref<128xi32, #tpu.memory_space<hbm>>) target(%dma_start3A_161 : memref<128xi32, #tpu.memory_space<vmem>>) target_semaphore(%dma_start3A_158 : memref<!tpu.dma_semaphore, #tpu.memory_space<semaphore_mem>>)
    %add3A_164 = arith.constant 640 : i32
    %add3A_165 = arith.addi %multiple_of3A, %add3A_164 : i32
    %multiple_of3A_166 = tpu.assume_multiple %add3A_165, 8 : i32
    %dma_start3A_167 = arith.constant 0 : i32
    %dma_start3A_168 = arith.constant 5 : i32
    %dma_start3A_169 = arith.constant 5 : i32
    %dma_start3A_170 = arith.constant 0 : i32
    %dma_start3A_171 = tpu.memref_slice %arg5[%dma_start3A_168, %dma_start3A_170] : memref<8x128xi32, #tpu.memory_space<vmem>> -> memref<1x128xi32, #tpu.memory_space<vmem>>
    %dma_start3A_172 = tpu.memref_squeeze %dma_start3A_171 : memref<1x128xi32, #tpu.memory_space<vmem>> -> memref<128xi32, #tpu.memory_space<vmem>>
    %dma_start3A_173 = tpu.memref_slice %arg3[%dma_start3A_167, %multiple_of3A_166] : memref<2x320000xi32, #tpu.memory_space<hbm>> -> memref<1x128xi32, #tpu.memory_space<hbm>>
    %dma_start3A_174 = tpu.memref_squeeze %dma_start3A_173 : memref<1x128xi32, #tpu.memory_space<hbm>> -> memref<128xi32, #tpu.memory_space<hbm>>
    %dma_start3A_175 = tpu.memref_slice %arg13[%dma_start3A_169] : memref<8x!tpu.dma_semaphore, #tpu.memory_space<semaphore_mem>> -> memref<1x!tpu.dma_semaphore, #tpu.memory_space<semaphore_mem>>
    %dma_start3A_176 = tpu.memref_squeeze %dma_start3A_175 : memref<1x!tpu.dma_semaphore, #tpu.memory_space<semaphore_mem>> -> memref<!tpu.dma_semaphore, #tpu.memory_space<semaphore_mem>>
    %dma_start3A_177 = arith.constant 0 : i32
    %dma_start3A_178 = tpu.memref_slice %arg5[%dma_start3A_168, %dma_start3A_177] : memref<8x128xi32, #tpu.memory_space<vmem>> -> memref<1x128xi32, #tpu.memory_space<vmem>>
    %dma_start3A_179 = tpu.memref_squeeze %dma_start3A_178 : memref<1x128xi32, #tpu.memory_space<vmem>> -> memref<128xi32, #tpu.memory_space<vmem>>
    %dma_start3A_180 = tpu.memref_slice %arg3[%dma_start3A_167, %multiple_of3A_166] : memref<2x320000xi32, #tpu.memory_space<hbm>> -> memref<1x128xi32, #tpu.memory_space<hbm>>
    %dma_start3A_181 = tpu.memref_squeeze %dma_start3A_180 : memref<1x128xi32, #tpu.memory_space<hbm>> -> memref<128xi32, #tpu.memory_space<hbm>>
    tpu.enqueue_dma source(%dma_start3A_181 : memref<128xi32, #tpu.memory_space<hbm>>) target(%dma_start3A_179 : memref<128xi32, #tpu.memory_space<vmem>>) target_semaphore(%dma_start3A_176 : memref<!tpu.dma_semaphore, #tpu.memory_space<semaphore_mem>>)
    %dma_start3A_182 = arith.constant 1 : i32
    %dma_start3A_183 = arith.constant 5 : i32
    %dma_start3A_184 = arith.constant 5 : i32
    %dma_start3A_185 = arith.constant 0 : i32
    %dma_start3A_186 = tpu.memref_slice %arg6[%dma_start3A_183, %dma_start3A_185] : memref<8x128xi32, #tpu.memory_space<vmem>> -> memref<1x128xi32, #tpu.memory_space<vmem>>
    %dma_start3A_187 = tpu.memref_squeeze %dma_start3A_186 : memref<1x128xi32, #tpu.memory_space<vmem>> -> memref<128xi32, #tpu.memory_space<vmem>>
    %dma_start3A_188 = tpu.memref_slice %arg3[%dma_start3A_182, %multiple_of3A_166] : memref<2x320000xi32, #tpu.memory_space<hbm>> -> memref<1x128xi32, #tpu.memory_space<hbm>>
    %dma_start3A_189 = tpu.memref_squeeze %dma_start3A_188 : memref<1x128xi32, #tpu.memory_space<hbm>> -> memref<128xi32, #tpu.memory_space<hbm>>
    %dma_start3A_190 = tpu.memref_slice %arg13[%dma_start3A_184] : memref<8x!tpu.dma_semaphore, #tpu.memory_space<semaphore_mem>> -> memref<1x!tpu.dma_semaphore, #tpu.memory_space<semaphore_mem>>
    %dma_start3A_191 = tpu.memref_squeeze %dma_start3A_190 : memref<1x!tpu.dma_semaphore, #tpu.memory_space<semaphore_mem>> -> memref<!tpu.dma_semaphore, #tpu.memory_space<semaphore_mem>>
    %dma_start3A_192 = arith.constant 0 : i32
    %dma_start3A_193 = tpu.memref_slice %arg6[%dma_start3A_183, %dma_start3A_192] : memref<8x128xi32, #tpu.memory_space<vmem>> -> memref<1x128xi32, #tpu.memory_space<vmem>>
    %dma_start3A_194 = tpu.memref_squeeze %dma_start3A_193 : memref<1x128xi32, #tpu.memory_space<vmem>> -> memref<128xi32, #tpu.memory_space<vmem>>
    %dma_start3A_195 = tpu.memref_slice %arg3[%dma_start3A_182, %multiple_of3A_166] : memref<2x320000xi32, #tpu.memory_space<hbm>> -> memref<1x128xi32, #tpu.memory_space<hbm>>
    %dma_start3A_196 = tpu.memref_squeeze %dma_start3A_195 : memref<1x128xi32, #tpu.memory_space<hbm>> -> memref<128xi32, #tpu.memory_space<hbm>>
    tpu.enqueue_dma source(%dma_start3A_196 : memref<128xi32, #tpu.memory_space<hbm>>) target(%dma_start3A_194 : memref<128xi32, #tpu.memory_space<vmem>>) target_semaphore(%dma_start3A_191 : memref<!tpu.dma_semaphore, #tpu.memory_space<semaphore_mem>>)
    %add3A_197 = arith.constant 768 : i32
    %add3A_198 = arith.addi %multiple_of3A, %add3A_197 : i32
    %multiple_of3A_199 = tpu.assume_multiple %add3A_198, 8 : i32
    %dma_start3A_200 = arith.constant 0 : i32
    %dma_start3A_201 = arith.constant 6 : i32
    %dma_start3A_202 = arith.constant 6 : i32
    %dma_start3A_203 = arith.constant 0 : i32
    %dma_start3A_204 = tpu.memref_slice %arg5[%dma_start3A_201, %dma_start3A_203] : memref<8x128xi32, #tpu.memory_space<vmem>> -> memref<1x128xi32, #tpu.memory_space<vmem>>
    %dma_start3A_205 = tpu.memref_squeeze %dma_start3A_204 : memref<1x128xi32, #tpu.memory_space<vmem>> -> memref<128xi32, #tpu.memory_space<vmem>>
    %dma_start3A_206 = tpu.memref_slice %arg3[%dma_start3A_200, %multiple_of3A_199] : memref<2x320000xi32, #tpu.memory_space<hbm>> -> memref<1x128xi32, #tpu.memory_space<hbm>>
    %dma_start3A_207 = tpu.memref_squeeze %dma_start3A_206 : memref<1x128xi32, #tpu.memory_space<hbm>> -> memref<128xi32, #tpu.memory_space<hbm>>
    %dma_start3A_208 = tpu.memref_slice %arg13[%dma_start3A_202] : memref<8x!tpu.dma_semaphore, #tpu.memory_space<semaphore_mem>> -> memref<1x!tpu.dma_semaphore, #tpu.memory_space<semaphore_mem>>
    %dma_start3A_209 = tpu.memref_squeeze %dma_start3A_208 : memref<1x!tpu.dma_semaphore, #tpu.memory_space<semaphore_mem>> -> memref<!tpu.dma_semaphore, #tpu.memory_space<semaphore_mem>>
    %dma_start3A_210 = arith.constant 0 : i32
    %dma_start3A_211 = tpu.memref_slice %arg5[%dma_start3A_201, %dma_start3A_210] : memref<8x128xi32, #tpu.memory_space<vmem>> -> memref<1x128xi32, #tpu.memory_space<vmem>>
    %dma_start3A_212 = tpu.memref_squeeze %dma_start3A_211 : memref<1x128xi32, #tpu.memory_space<vmem>> -> memref<128xi32, #tpu.memory_space<vmem>>
    %dma_start3A_213 = tpu.memref_slice %arg3[%dma_start3A_200, %multiple_of3A_199] : memref<2x320000xi32, #tpu.memory_space<hbm>> -> memref<1x128xi32, #tpu.memory_space<hbm>>
    %dma_start3A_214 = tpu.memref_squeeze %dma_start3A_213 : memref<1x128xi32, #tpu.memory_space<hbm>> -> memref<128xi32, #tpu.memory_space<hbm>>
    tpu.enqueue_dma source(%dma_start3A_214 : memref<128xi32, #tpu.memory_space<hbm>>) target(%dma_start3A_212 : memref<128xi32, #tpu.memory_space<vmem>>) target_semaphore(%dma_start3A_209 : memref<!tpu.dma_semaphore, #tpu.memory_space<semaphore_mem>>)
    %dma_start3A_215 = arith.constant 1 : i32
    %dma_start3A_216 = arith.constant 6 : i32
    %dma_start3A_217 = arith.constant 6 : i32
    %dma_start3A_218 = arith.constant 0 : i32
    %dma_start3A_219 = tpu.memref_slice %arg6[%dma_start3A_216, %dma_start3A_218] : memref<8x128xi32, #tpu.memory_space<vmem>> -> memref<1x128xi32, #tpu.memory_space<vmem>>
    %dma_start3A_220 = tpu.memref_squeeze %dma_start3A_219 : memref<1x128xi32, #tpu.memory_space<vmem>> -> memref<128xi32, #tpu.memory_space<vmem>>
    %dma_start3A_221 = tpu.memref_slice %arg3[%dma_start3A_215, %multiple_of3A_199] : memref<2x320000xi32, #tpu.memory_space<hbm>> -> memref<1x128xi32, #tpu.memory_space<hbm>>
    %dma_start3A_222 = tpu.memref_squeeze %dma_start3A_221 : memref<1x128xi32, #tpu.memory_space<hbm>> -> memref<128xi32, #tpu.memory_space<hbm>>
    %dma_start3A_223 = tpu.memref_slice %arg13[%dma_start3A_217] : memref<8x!tpu.dma_semaphore, #tpu.memory_space<semaphore_mem>> -> memref<1x!tpu.dma_semaphore, #tpu.memory_space<semaphore_mem>>
    %dma_start3A_224 = tpu.memref_squeeze %dma_start3A_223 : memref<1x!tpu.dma_semaphore, #tpu.memory_space<semaphore_mem>> -> memref<!tpu.dma_semaphore, #tpu.memory_space<semaphore_mem>>
    %dma_start3A_225 = arith.constant 0 : i32
    %dma_start3A_226 = tpu.memref_slice %arg6[%dma_start3A_216, %dma_start3A_225] : memref<8x128xi32, #tpu.memory_space<vmem>> -> memref<1x128xi32, #tpu.memory_space<vmem>>
    %dma_start3A_227 = tpu.memref_squeeze %dma_start3A_226 : memref<1x128xi32, #tpu.memory_space<vmem>> -> memref<128xi32, #tpu.memory_space<vmem>>
    %dma_start3A_228 = tpu.memref_slice %arg3[%dma_start3A_215, %multiple_of3A_199] : memref<2x320000xi32, #tpu.memory_space<hbm>> -> memref<1x128xi32, #tpu.memory_space<hbm>>
    %dma_start3A_229 = tpu.memref_squeeze %dma_start3A_228 : memref<1x128xi32, #tpu.memory_space<hbm>> -> memref<128xi32, #tpu.memory_space<hbm>>
    tpu.enqueue_dma source(%dma_start3A_229 : memref<128xi32, #tpu.memory_space<hbm>>) target(%dma_start3A_227 : memref<128xi32, #tpu.memory_space<vmem>>) target_semaphore(%dma_start3A_224 : memref<!tpu.dma_semaphore, #tpu.memory_space<semaphore_mem>>)
    %add3A_230 = arith.constant 896 : i32
    %add3A_231 = arith.addi %multiple_of3A, %add3A_230 : i32
    %multiple_of3A_232 = tpu.assume_multiple %add3A_231, 8 : i32
    %dma_start3A_233 = arith.constant 0 : i32
    %dma_start3A_234 = arith.constant 7 : i32
    %dma_start3A_235 = arith.constant 7 : i32
    %dma_start3A_236 = arith.constant 0 : i32
    %dma_start3A_237 = tpu.memref_slice %arg5[%dma_start3A_234, %dma_start3A_236] : memref<8x128xi32, #tpu.memory_space<vmem>> -> memref<1x128xi32, #tpu.memory_space<vmem>>
    %dma_start3A_238 = tpu.memref_squeeze %dma_start3A_237 : memref<1x128xi32, #tpu.memory_space<vmem>> -> memref<128xi32, #tpu.memory_space<vmem>>
    %dma_start3A_239 = tpu.memref_slice %arg3[%dma_start3A_233, %multiple_of3A_232] : memref<2x320000xi32, #tpu.memory_space<hbm>> -> memref<1x128xi32, #tpu.memory_space<hbm>>
    %dma_start3A_240 = tpu.memref_squeeze %dma_start3A_239 : memref<1x128xi32, #tpu.memory_space<hbm>> -> memref<128xi32, #tpu.memory_space<hbm>>
    %dma_start3A_241 = tpu.memref_slice %arg13[%dma_start3A_235] : memref<8x!tpu.dma_semaphore, #tpu.memory_space<semaphore_mem>> -> memref<1x!tpu.dma_semaphore, #tpu.memory_space<semaphore_mem>>
    %dma_start3A_242 = tpu.memref_squeeze %dma_start3A_241 : memref<1x!tpu.dma_semaphore, #tpu.memory_space<semaphore_mem>> -> memref<!tpu.dma_semaphore, #tpu.memory_space<semaphore_mem>>
    %dma_start3A_243 = arith.constant 0 : i32
    %dma_start3A_244 = tpu.memref_slice %arg5[%dma_start3A_234, %dma_start3A_243] : memref<8x128xi32, #tpu.memory_space<vmem>> -> memref<1x128xi32, #tpu.memory_space<vmem>>
    %dma_start3A_245 = tpu.memref_squeeze %dma_start3A_244 : memref<1x128xi32, #tpu.memory_space<vmem>> -> memref<128xi32, #tpu.memory_space<vmem>>
    %dma_start3A_246 = tpu.memref_slice %arg3[%dma_start3A_233, %multiple_of3A_232] : memref<2x320000xi32, #tpu.memory_space<hbm>> -> memref<1x128xi32, #tpu.memory_space<hbm>>
    %dma_start3A_247 = tpu.memref_squeeze %dma_start3A_246 : memref<1x128xi32, #tpu.memory_space<hbm>> -> memref<128xi32, #tpu.memory_space<hbm>>
    tpu.enqueue_dma source(%dma_start3A_247 : memref<128xi32, #tpu.memory_space<hbm>>) target(%dma_start3A_245 : memref<128xi32, #tpu.memory_space<vmem>>) target_semaphore(%dma_start3A_242 : memref<!tpu.dma_semaphore, #tpu.memory_space<semaphore_mem>>)
    %dma_start3A_248 = arith.constant 1 : i32
    %dma_start3A_249 = arith.constant 7 : i32
    %dma_start3A_250 = arith.constant 7 : i32
    %dma_start3A_251 = arith.constant 0 : i32
    %dma_start3A_252 = tpu.memref_slice %arg6[%dma_start3A_249, %dma_start3A_251] : memref<8x128xi32, #tpu.memory_space<vmem>> -> memref<1x128xi32, #tpu.memory_space<vmem>>
    %dma_start3A_253 = tpu.memref_squeeze %dma_start3A_252 : memref<1x128xi32, #tpu.memory_space<vmem>> -> memref<128xi32, #tpu.memory_space<vmem>>
    %dma_start3A_254 = tpu.memref_slice %arg3[%dma_start3A_248, %multiple_of3A_232] : memref<2x320000xi32, #tpu.memory_space<hbm>> -> memref<1x128xi32, #tpu.memory_space<hbm>>
    %dma_start3A_255 = tpu.memref_squeeze %dma_start3A_254 : memref<1x128xi32, #tpu.memory_space<hbm>> -> memref<128xi32, #tpu.memory_space<hbm>>
    %dma_start3A_256 = tpu.memref_slice %arg13[%dma_start3A_250] : memref<8x!tpu.dma_semaphore, #tpu.memory_space<semaphore_mem>> -> memref<1x!tpu.dma_semaphore, #tpu.memory_space<semaphore_mem>>
    %dma_start3A_257 = tpu.memref_squeeze %dma_start3A_256 : memref<1x!tpu.dma_semaphore, #tpu.memory_space<semaphore_mem>> -> memref<!tpu.dma_semaphore, #tpu.memory_space<semaphore_mem>>
    %dma_start3A_258 = arith.constant 0 : i32
    %dma_start3A_259 = tpu.memref_slice %arg6[%dma_start3A_249, %dma_start3A_258] : memref<8x128xi32, #tpu.memory_space<vmem>> -> memref<1x128xi32, #tpu.memory_space<vmem>>
    %dma_start3A_260 = tpu.memref_squeeze %dma_start3A_259 : memref<1x128xi32, #tpu.memory_space<vmem>> -> memref<128xi32, #tpu.memory_space<vmem>>
    %dma_start3A_261 = tpu.memref_slice %arg3[%dma_start3A_248, %multiple_of3A_232] : memref<2x320000xi32, #tpu.memory_space<hbm>> -> memref<1x128xi32, #tpu.memory_space<hbm>>
    %dma_start3A_262 = tpu.memref_squeeze %dma_start3A_261 : memref<1x128xi32, #tpu.memory_space<hbm>> -> memref<128xi32, #tpu.memory_space<hbm>>
    tpu.enqueue_dma source(%dma_start3A_262 : memref<128xi32, #tpu.memory_space<hbm>>) target(%dma_start3A_260 : memref<128xi32, #tpu.memory_space<vmem>>) target_semaphore(%dma_start3A_257 : memref<!tpu.dma_semaphore, #tpu.memory_space<semaphore_mem>>)
    %scan3A = arith.constant 0 : i32
    %scan3A_263 = arith.constant 0 : i32
    %scan3A_264 = arith.constant 128 : i32
    %scan3A_265 = arith.addi %scan3A_263, %scan3A_264 : i32
    %scan3A_266 = arith.constant 1 : i32
    %scan3A_267 = scf.for %scan3A_303 = %scan3A_263 to %scan3A_265 step %scan3A_266 iter_args(%scan3A_304 = %scan3A) -> (i32)  : i32 {
      %broadcast_in_dim3A = arith.constant 0.000000e+00 : f32
      %broadcast_in_dim3A_305 = vector.broadcast %broadcast_in_dim3A : f32 to vector<16xf32>
      %swap3A = arith.constant 0 : i32
      %swap3A_306 = arith.index_cast %swap3A : i32 to index
      %swap3A_307 = arith.index_cast %scan3A_303 : i32 to index
      %swap3A_308 = arith.constant 0 : index
      %swap3A_309 = tpu.vector_load %arg7[%swap3A_306, %swap3A_307, %swap3A_308] {strides = array<i32>} : memref<4x128x64xf32, #tpu.memory_space<vmem>>, vector<1x1x16xf32>,
      %swap3A_310 = vector.shape_cast %swap3A_309 : vector<1x1x16xf32> to vector<16xf32>
      %swap3A_311 = vector.shape_cast %broadcast_in_dim3A_305 : vector<16xf32> to vector<1x1x16xf32>
      tpu.vector_store %arg7[%swap3A_306, %swap3A_307, %swap3A_308], %swap3A_311 {strides = array<i32>} : memref<4x128x64xf32, #tpu.memory_space<vmem>>, vector<1x1x16xf32>,
      %broadcast_in_dim3A_312 = arith.constant 0.000000e+00 : f32
      %broadcast_in_dim3A_313 = vector.broadcast %broadcast_in_dim3A_312 : f32 to vector<16xf32>
      %swap3A_314 = arith.constant 0 : i32
      %swap3A_315 = arith.index_cast %swap3A_314 : i32 to index
      %swap3A_316 = arith.index_cast %scan3A_303 : i32 to index
      %swap3A_317 = arith.constant 16 : index
      %swap3A_318 = tpu.vector_load %arg7[%swap3A_315, %swap3A_316, %swap3A_317] {strides = array<i32>} : memref<4x128x64xf32, #tpu.memory_space<vmem>>, vector<1x1x16xf32>,
      %swap3A_319 = vector.shape_cast %swap3A_318 : vector<1x1x16xf32> to vector<16xf32>
      %swap3A_320 = vector.shape_cast %broadcast_in_dim3A_313 : vector<16xf32> to vector<1x1x16xf32>
      tpu.vector_store %arg7[%swap3A_315, %swap3A_316, %swap3A_317], %swap3A_320 {strides = array<i32>} : memref<4x128x64xf32, #tpu.memory_space<vmem>>, vector<1x1x16xf32>,
      %broadcast_in_dim3A_321 = arith.constant 0.000000e+00 : f32
      %broadcast_in_dim3A_322 = vector.broadcast %broadcast_in_dim3A_321 : f32 to vector<16xf32>
      %swap3A_323 = arith.constant 0 : i32
      %swap3A_324 = arith.index_cast %swap3A_323 : i32 to index
      %swap3A_325 = arith.index_cast %scan3A_303 : i32 to index
      %swap3A_326 = arith.constant 32 : index
      %swap3A_327 = tpu.vector_load %arg7[%swap3A_324, %swap3A_325, %swap3A_326] {strides = array<i32>} : memref<4x128x64xf32, #tpu.memory_space<vmem>>, vector<1x1x16xf32>,
      %swap3A_328 = vector.shape_cast %swap3A_327 : vector<1x1x16xf32> to vector<16xf32>
      %swap3A_329 = vector.shape_cast %broadcast_in_dim3A_322 : vector<16xf32> to vector<1x1x16xf32>
      tpu.vector_store %arg7[%swap3A_324, %swap3A_325, %swap3A_326], %swap3A_329 {strides = array<i32>} : memref<4x128x64xf32, #tpu.memory_space<vmem>>, vector<1x1x16xf32>,
      %broadcast_in_dim3A_330 = arith.constant 0.000000e+00 : f32
      %broadcast_in_dim3A_331 = vector.broadcast %broadcast_in_dim3A_330 : f32 to vector<16xf32>
      %swap3A_332 = arith.constant 0 : i32
      %swap3A_333 = arith.index_cast %swap3A_332 : i32 to index
      %swap3A_334 = arith.index_cast %scan3A_303 : i32 to index
      %swap3A_335 = arith.constant 48 : index
      %swap3A_336 = tpu.vector_load %arg7[%swap3A_333, %swap3A_334, %swap3A_335] {strides = array<i32>} : memref<4x128x64xf32, #tpu.memory_space<vmem>>, vector<1x1x16xf32>,
      %swap3A_337 = vector.shape_cast %swap3A_336 : vector<1x1x16xf32> to vector<16xf32>
      %swap3A_338 = vector.shape_cast %broadcast_in_dim3A_331 : vector<16xf32> to vector<1x1x16xf32>
      tpu.vector_store %arg7[%swap3A_333, %swap3A_334, %swap3A_335], %swap3A_338 {strides = array<i32>} : memref<4x128x64xf32, #tpu.memory_space<vmem>>, vector<1x1x16xf32>,
      %scan3A_339 = arith.constant 0 : i32
      scf.yield %scan3A_339 : i32
    }
    %scan3A_268 = arith.constant 128 : i32
    %mul3A_269 = arith.constant 625 : i32
    %mul3A_270 = arith.muli %arg1, %mul3A_269 : i32
    %add3A_271 = arith.constant 0 : i32
    %add3A_272 = arith.addi %mul3A_270, %add3A_271 : i32
    %run_scoped3A = arith.constant 0 : i32
    "tpu.region"() ({
      %run_scoped3A_303 = tpu.sem_alloc : memref<!tpu.dma_semaphore, #tpu.memory_space<semaphore_mem>>
      %dma_start3A_304 = arith.constant 0 : i32
      %dma_start3A_305 = arith.constant 0 : i32
      %dma_start3A_306 = tpu.memref_slice %arg7[%run_scoped3A, %dma_start3A_304, %dma_start3A_305] : memref<4x128x64xf32, #tpu.memory_space<vmem>> -> memref<1x128x64xf32, #tpu.memory_space<vmem>>
      %dma_start3A_307 = tpu.memref_squeeze %dma_start3A_306 : memref<1x128x64xf32, #tpu.memory_space<vmem>> -> memref<128x64xf32, #tpu.memory_space<vmem>>
      %dma_start3A_308 = arith.constant 0 : i32
      %dma_start3A_309 = tpu.memref_slice %arg12[%add3A_272, %dma_start3A_308] : memref<10000x64xf32, #tpu.memory_space<vmem_shared>> -> memref<128x64xf32, #tpu.memory_space<vmem_shared>>
      %dma_start3A_310 = arith.constant 0 : i32
      %dma_start3A_311 = tpu.memref_slice %arg12[%add3A_272, %dma_start3A_310] : memref<10000x64xf32, #tpu.memory_space<vmem_shared>> -> memref<128x64xf32, #tpu.memory_space<vmem_shared>>
      %dma_start3A_312 = arith.constant 0 : i32
      %dma_start3A_313 = arith.constant 0 : i32
      %dma_start3A_314 = tpu.memref_slice %arg7[%run_scoped3A, %dma_start3A_312, %dma_start3A_313] : memref<4x128x64xf32, #tpu.memory_space<vmem>> -> memref<1x128x64xf32, #tpu.memory_space<vmem>>
      %dma_start3A_315 = tpu.memref_squeeze %dma_start3A_314 : memref<1x128x64xf32, #tpu.memory_space<vmem>> -> memref<128x64xf32, #tpu.memory_space<vmem>>
      tpu.enqueue_dma source(%dma_start3A_315 : memref<128x64xf32, #tpu.memory_space<vmem>>) target(%dma_start3A_311 : memref<128x64xf32, #tpu.memory_space<vmem_shared>>) target_semaphore(%run_scoped3A_303 : memref<!tpu.dma_semaphore, #tpu.memory_space<semaphore_mem>>)
      %dma_wait3A = arith.constant 0 : i32
      %dma_wait3A_316 = arith.constant 0 : i32
      %dma_wait3A_317 = tpu.memref_slice %arg7[%run_scoped3A, %dma_wait3A, %dma_wait3A_316] : memref<4x128x64xf32, #tpu.memory_space<vmem>> -> memref<1x128x64xf32, #tpu.memory_space<vmem>>
      %dma_wait3A_318 = tpu.memref_squeeze %dma_wait3A_317 : memref<1x128x64xf32, #tpu.memory_space<vmem>> -> memref<128x64xf32, #tpu.memory_space<vmem>>
      %dma_wait3A_319 = arith.constant 0 : i32
      %dma_wait3A_320 = tpu.memref_slice %arg12[%add3A_272, %dma_wait3A_319] : memref<10000x64xf32, #tpu.memory_space<vmem_shared>> -> memref<128x64xf32, #tpu.memory_space<vmem_shared>>
      %dma_wait3A_321 = arith.constant 0 : i32
      %dma_wait3A_322 = tpu.memref_slice %arg12[%add3A_272, %dma_wait3A_321] : memref<10000x64xf32, #tpu.memory_space<vmem_shared>> -> memref<128x64xf32, #tpu.memory_space<vmem_shared>>
      %dma_wait3A_323 = arith.constant 0 : i32
      %dma_wait3A_324 = arith.constant 0 : i32
      %dma_wait3A_325 = tpu.memref_slice %arg7[%run_scoped3A, %dma_wait3A_323, %dma_wait3A_324] : memref<4x128x64xf32, #tpu.memory_space<vmem>> -> memref<1x128x64xf32, #tpu.memory_space<vmem>>
      %dma_wait3A_326 = tpu.memref_squeeze %dma_wait3A_325 : memref<1x128x64xf32, #tpu.memory_space<vmem>> -> memref<128x64xf32, #tpu.memory_space<vmem>>
      tpu.wait_dma2 semaphore(%run_scoped3A_303 : memref<!tpu.dma_semaphore, #tpu.memory_space<semaphore_mem>>) src(%dma_wait3A_326 : memref<128x64xf32, #tpu.memory_space<vmem>>) dst(%dma_wait3A_322 : memref<128x64xf32, #tpu.memory_space<vmem_shared>>)
      tpu.yield
    }) : () -> ()
    %add3A_273 = arith.constant 128 : i32
    %add3A_274 = arith.addi %mul3A_270, %add3A_273 : i32
    %run_scoped3A_275 = arith.constant 0 : i32
    "tpu.region"() ({
      %run_scoped3A_303 = tpu.sem_alloc : memref<!tpu.dma_semaphore, #tpu.memory_space<semaphore_mem>>
      %dma_start3A_304 = arith.constant 0 : i32
      %dma_start3A_305 = arith.constant 0 : i32
      %dma_start3A_306 = tpu.memref_slice %arg7[%run_scoped3A_275, %dma_start3A_304, %dma_start3A_305] : memref<4x128x64xf32, #tpu.memory_space<vmem>> -> memref<1x128x64xf32, #tpu.memory_space<vmem>>
      %dma_start3A_307 = tpu.memref_squeeze %dma_start3A_306 : memref<1x128x64xf32, #tpu.memory_space<vmem>> -> memref<128x64xf32, #tpu.memory_space<vmem>>
      %dma_start3A_308 = arith.constant 0 : i32
      %dma_start3A_309 = tpu.memref_slice %arg12[%add3A_274, %dma_start3A_308] : memref<10000x64xf32, #tpu.memory_space<vmem_shared>> -> memref<128x64xf32, #tpu.memory_space<vmem_shared>>
      %dma_start3A_310 = arith.constant 0 : i32
      %dma_start3A_311 = tpu.memref_slice %arg12[%add3A_274, %dma_start3A_310] : memref<10000x64xf32, #tpu.memory_space<vmem_shared>> -> memref<128x64xf32, #tpu.memory_space<vmem_shared>>
      %dma_start3A_312 = arith.constant 0 : i32
      %dma_start3A_313 = arith.constant 0 : i32
      %dma_start3A_314 = tpu.memref_slice %arg7[%run_scoped3A_275, %dma_start3A_312, %dma_start3A_313] : memref<4x128x64xf32, #tpu.memory_space<vmem>> -> memref<1x128x64xf32, #tpu.memory_space<vmem>>
      %dma_start3A_315 = tpu.memref_squeeze %dma_start3A_314 : memref<1x128x64xf32, #tpu.memory_space<vmem>> -> memref<128x64xf32, #tpu.memory_space<vmem>>
      tpu.enqueue_dma source(%dma_start3A_315 : memref<128x64xf32, #tpu.memory_space<vmem>>) target(%dma_start3A_311 : memref<128x64xf32, #tpu.memory_space<vmem_shared>>) target_semaphore(%run_scoped3A_303 : memref<!tpu.dma_semaphore, #tpu.memory_space<semaphore_mem>>)
      %dma_wait3A = arith.constant 0 : i32
      %dma_wait3A_316 = arith.constant 0 : i32
      %dma_wait3A_317 = tpu.memref_slice %arg7[%run_scoped3A_275, %dma_wait3A, %dma_wait3A_316] : memref<4x128x64xf32, #tpu.memory_space<vmem>> -> memref<1x128x64xf32, #tpu.memory_space<vmem>>
      %dma_wait3A_318 = tpu.memref_squeeze %dma_wait3A_317 : memref<1x128x64xf32, #tpu.memory_space<vmem>> -> memref<128x64xf32, #tpu.memory_space<vmem>>
      %dma_wait3A_319 = arith.constant 0 : i32
      %dma_wait3A_320 = tpu.memref_slice %arg12[%add3A_274, %dma_wait3A_319] : memref<10000x64xf32, #tpu.memory_space<vmem_shared>> -> memref<128x64xf32, #tpu.memory_space<vmem_shared>>
      %dma_wait3A_321 = arith.constant 0 : i32
      %dma_wait3A_322 = tpu.memref_slice %arg12[%add3A_274, %dma_wait3A_321] : memref<10000x64xf32, #tpu.memory_space<vmem_shared>> -> memref<128x64xf32, #tpu.memory_space<vmem_shared>>
      %dma_wait3A_323 = arith.constant 0 : i32
      %dma_wait3A_324 = arith.constant 0 : i32
      %dma_wait3A_325 = tpu.memref_slice %arg7[%run_scoped3A_275, %dma_wait3A_323, %dma_wait3A_324] : memref<4x128x64xf32, #tpu.memory_space<vmem>> -> memref<1x128x64xf32, #tpu.memory_space<vmem>>
      %dma_wait3A_326 = tpu.memref_squeeze %dma_wait3A_325 : memref<1x128x64xf32, #tpu.memory_space<vmem>> -> memref<128x64xf32, #tpu.memory_space<vmem>>
      tpu.wait_dma2 semaphore(%run_scoped3A_303 : memref<!tpu.dma_semaphore, #tpu.memory_space<semaphore_mem>>) src(%dma_wait3A_326 : memref<128x64xf32, #tpu.memory_space<vmem>>) dst(%dma_wait3A_322 : memref<128x64xf32, #tpu.memory_space<vmem_shared>>)
      tpu.yield
    }) : () -> ()
    %add3A_276 = arith.constant 256 : i32
    %add3A_277 = arith.addi %mul3A_270, %add3A_276 : i32
    %run_scoped3A_278 = arith.constant 0 : i32
    "tpu.region"() ({
      %run_scoped3A_303 = tpu.sem_alloc : memref<!tpu.dma_semaphore, #tpu.memory_space<semaphore_mem>>
      %dma_start3A_304 = arith.constant 0 : i32
      %dma_start3A_305 = arith.constant 0 : i32
      %dma_start3A_306 = tpu.memref_slice %arg7[%run_scoped3A_278, %dma_start3A_304, %dma_start3A_305] : memref<4x128x64xf32, #tpu.memory_space<vmem>> -> memref<1x128x64xf32, #tpu.memory_space<vmem>>
      %dma_start3A_307 = tpu.memref_squeeze %dma_start3A_306 : memref<1x128x64xf32, #tpu.memory_space<vmem>> -> memref<128x64xf32, #tpu.memory_space<vmem>>
      %dma_start3A_308 = arith.constant 0 : i32
      %dma_start3A_309 = tpu.memref_slice %arg12[%add3A_277, %dma_start3A_308] : memref<10000x64xf32, #tpu.memory_space<vmem_shared>> -> memref<128x64xf32, #tpu.memory_space<vmem_shared>>
      %dma_start3A_310 = arith.constant 0 : i32
      %dma_start3A_311 = tpu.memref_slice %arg12[%add3A_277, %dma_start3A_310] : memref<10000x64xf32, #tpu.memory_space<vmem_shared>> -> memref<128x64xf32, #tpu.memory_space<vmem_shared>>
      %dma_start3A_312 = arith.constant 0 : i32
      %dma_start3A_313 = arith.constant 0 : i32
      %dma_start3A_314 = tpu.memref_slice %arg7[%run_scoped3A_278, %dma_start3A_312, %dma_start3A_313] : memref<4x128x64xf32, #tpu.memory_space<vmem>> -> memref<1x128x64xf32, #tpu.memory_space<vmem>>
      %dma_start3A_315 = tpu.memref_squeeze %dma_start3A_314 : memref<1x128x64xf32, #tpu.memory_space<vmem>> -> memref<128x64xf32, #tpu.memory_space<vmem>>
      tpu.enqueue_dma source(%dma_start3A_315 : memref<128x64xf32, #tpu.memory_space<vmem>>) target(%dma_start3A_311 : memref<128x64xf32, #tpu.memory_space<vmem_shared>>) target_semaphore(%run_scoped3A_303 : memref<!tpu.dma_semaphore, #tpu.memory_space<semaphore_mem>>)
      %dma_wait3A = arith.constant 0 : i32
      %dma_wait3A_316 = arith.constant 0 : i32
      %dma_wait3A_317 = tpu.memref_slice %arg7[%run_scoped3A_278, %dma_wait3A, %dma_wait3A_316] : memref<4x128x64xf32, #tpu.memory_space<vmem>> -> memref<1x128x64xf32, #tpu.memory_space<vmem>>
      %dma_wait3A_318 = tpu.memref_squeeze %dma_wait3A_317 : memref<1x128x64xf32, #tpu.memory_space<vmem>> -> memref<128x64xf32, #tpu.memory_space<vmem>>
      %dma_wait3A_319 = arith.constant 0 : i32
      %dma_wait3A_320 = tpu.memref_slice %arg12[%add3A_277, %dma_wait3A_319] : memref<10000x64xf32, #tpu.memory_space<vmem_shared>> -> memref<128x64xf32, #tpu.memory_space<vmem_shared>>
      %dma_wait3A_321 = arith.constant 0 : i32
      %dma_wait3A_322 = tpu.memref_slice %arg12[%add3A_277, %dma_wait3A_321] : memref<10000x64xf32, #tpu.memory_space<vmem_shared>> -> memref<128x64xf32, #tpu.memory_space<vmem_shared>>
      %dma_wait3A_323 = arith.constant 0 : i32
      %dma_wait3A_324 = arith.constant 0 : i32
      %dma_wait3A_325 = tpu.memref_slice %arg7[%run_scoped3A_278, %dma_wait3A_323, %dma_wait3A_324] : memref<4x128x64xf32, #tpu.memory_space<vmem>> -> memref<1x128x64xf32, #tpu.memory_space<vmem>>
      %dma_wait3A_326 = tpu.memref_squeeze %dma_wait3A_325 : memref<1x128x64xf32, #tpu.memory_space<vmem>> -> memref<128x64xf32, #tpu.memory_space<vmem>>
      tpu.wait_dma2 semaphore(%run_scoped3A_303 : memref<!tpu.dma_semaphore, #tpu.memory_space<semaphore_mem>>) src(%dma_wait3A_326 : memref<128x64xf32, #tpu.memory_space<vmem>>) dst(%dma_wait3A_322 : memref<128x64xf32, #tpu.memory_space<vmem_shared>>)
      tpu.yield
    }) : () -> ()
    %add3A_279 = arith.constant 384 : i32
    %add3A_280 = arith.addi %mul3A_270, %add3A_279 : i32
    %run_scoped3A_281 = arith.constant 0 : i32
    "tpu.region"() ({
      %run_scoped3A_303 = tpu.sem_alloc : memref<!tpu.dma_semaphore, #tpu.memory_space<semaphore_mem>>
      %dma_start3A_304 = arith.constant 0 : i32
      %dma_start3A_305 = arith.constant 0 : i32
      %dma_start3A_306 = tpu.memref_slice %arg7[%run_scoped3A_281, %dma_start3A_304, %dma_start3A_305] : memref<4x128x64xf32, #tpu.memory_space<vmem>> -> memref<1x128x64xf32, #tpu.memory_space<vmem>>
      %dma_start3A_307 = tpu.memref_squeeze %dma_start3A_306 : memref<1x128x64xf32, #tpu.memory_space<vmem>> -> memref<128x64xf32, #tpu.memory_space<vmem>>
      %dma_start3A_308 = arith.constant 0 : i32
      %dma_start3A_309 = tpu.memref_slice %arg12[%add3A_280, %dma_start3A_308] : memref<10000x64xf32, #tpu.memory_space<vmem_shared>> -> memref<128x64xf32, #tpu.memory_space<vmem_shared>>
      %dma_start3A_310 = arith.constant 0 : i32
      %dma_start3A_311 = tpu.memref_slice %arg12[%add3A_280, %dma_start3A_310] : memref<10000x64xf32, #tpu.memory_space<vmem_shared>> -> memref<128x64xf32, #tpu.memory_space<vmem_shared>>
      %dma_start3A_312 = arith.constant 0 : i32
      %dma_start3A_313 = arith.constant 0 : i32
      %dma_start3A_314 = tpu.memref_slice %arg7[%run_scoped3A_281, %dma_start3A_312, %dma_start3A_313] : memref<4x128x64xf32, #tpu.memory_space<vmem>> -> memref<1x128x64xf32, #tpu.memory_space<vmem>>
      %dma_start3A_315 = tpu.memref_squeeze %dma_start3A_314 : memref<1x128x64xf32, #tpu.memory_space<vmem>> -> memref<128x64xf32, #tpu.memory_space<vmem>>
      tpu.enqueue_dma source(%dma_start3A_315 : memref<128x64xf32, #tpu.memory_space<vmem>>) target(%dma_start3A_311 : memref<128x64xf32, #tpu.memory_space<vmem_shared>>) target_semaphore(%run_scoped3A_303 : memref<!tpu.dma_semaphore, #tpu.memory_space<semaphore_mem>>)
      %dma_wait3A = arith.constant 0 : i32
      %dma_wait3A_316 = arith.constant 0 : i32
      %dma_wait3A_317 = tpu.memref_slice %arg7[%run_scoped3A_281, %dma_wait3A, %dma_wait3A_316] : memref<4x128x64xf32, #tpu.memory_space<vmem>> -> memref<1x128x64xf32, #tpu.memory_space<vmem>>
      %dma_wait3A_318 = tpu.memref_squeeze %dma_wait3A_317 : memref<1x128x64xf32, #tpu.memory_space<vmem>> -> memref<128x64xf32, #tpu.memory_space<vmem>>
      %dma_wait3A_319 = arith.constant 0 : i32
      %dma_wait3A_320 = tpu.memref_slice %arg12[%add3A_280, %dma_wait3A_319] : memref<10000x64xf32, #tpu.memory_space<vmem_shared>> -> memref<128x64xf32, #tpu.memory_space<vmem_shared>>
      %dma_wait3A_321 = arith.constant 0 : i32
      %dma_wait3A_322 = tpu.memref_slice %arg12[%add3A_280, %dma_wait3A_321] : memref<10000x64xf32, #tpu.memory_space<vmem_shared>> -> memref<128x64xf32, #tpu.memory_space<vmem_shared>>
      %dma_wait3A_323 = arith.constant 0 : i32
      %dma_wait3A_324 = arith.constant 0 : i32
      %dma_wait3A_325 = tpu.memref_slice %arg7[%run_scoped3A_281, %dma_wait3A_323, %dma_wait3A_324] : memref<4x128x64xf32, #tpu.memory_space<vmem>> -> memref<1x128x64xf32, #tpu.memory_space<vmem>>
      %dma_wait3A_326 = tpu.memref_squeeze %dma_wait3A_325 : memref<1x128x64xf32, #tpu.memory_space<vmem>> -> memref<128x64xf32, #tpu.memory_space<vmem>>
      tpu.wait_dma2 semaphore(%run_scoped3A_303 : memref<!tpu.dma_semaphore, #tpu.memory_space<semaphore_mem>>) src(%dma_wait3A_326 : memref<128x64xf32, #tpu.memory_space<vmem>>) dst(%dma_wait3A_322 : memref<128x64xf32, #tpu.memory_space<vmem_shared>>)
      tpu.yield
    }) : () -> ()
    %add3A_282 = arith.constant 512 : i32
    %add3A_283 = arith.addi %mul3A_270, %add3A_282 : i32
    %run_scoped3A_284 = arith.constant 0 : i32
    "tpu.region"() ({
      %run_scoped3A_303 = tpu.sem_alloc : memref<!tpu.dma_semaphore, #tpu.memory_space<semaphore_mem>>
      %dma_start3A_304 = arith.constant 0 : i32
      %dma_start3A_305 = arith.constant 0 : i32
      %dma_start3A_306 = tpu.memref_slice %arg7[%run_scoped3A_284, %dma_start3A_304, %dma_start3A_305] : memref<4x128x64xf32, #tpu.memory_space<vmem>> -> memref<1x113x64xf32, #tpu.memory_space<vmem>>
      %dma_start3A_307 = tpu.memref_squeeze %dma_start3A_306 : memref<1x113x64xf32, #tpu.memory_space<vmem>> -> memref<113x64xf32, #tpu.memory_space<vmem>>
      %dma_start3A_308 = arith.constant 0 : i32
      %dma_start3A_309 = tpu.memref_slice %arg12[%add3A_283, %dma_start3A_308] : memref<10000x64xf32, #tpu.memory_space<vmem_shared>> -> memref<113x64xf32, #tpu.memory_space<vmem_shared>>
      %dma_start3A_310 = arith.constant 0 : i32
      %dma_start3A_311 = tpu.memref_slice %arg12[%add3A_283, %dma_start3A_310] : memref<10000x64xf32, #tpu.memory_space<vmem_shared>> -> memref<113x64xf32, #tpu.memory_space<vmem_shared>>
      %dma_start3A_312 = arith.constant 0 : i32
      %dma_start3A_313 = arith.constant 0 : i32
      %dma_start3A_314 = tpu.memref_slice %arg7[%run_scoped3A_284, %dma_start3A_312, %dma_start3A_313] : memref<4x128x64xf32, #tpu.memory_space<vmem>> -> memref<1x113x64xf32, #tpu.memory_space<vmem>>
      %dma_start3A_315 = tpu.memref_squeeze %dma_start3A_314 : memref<1x113x64xf32, #tpu.memory_space<vmem>> -> memref<113x64xf32, #tpu.memory_space<vmem>>
      tpu.enqueue_dma source(%dma_start3A_315 : memref<113x64xf32, #tpu.memory_space<vmem>>) target(%dma_start3A_311 : memref<113x64xf32, #tpu.memory_space<vmem_shared>>) target_semaphore(%run_scoped3A_303 : memref<!tpu.dma_semaphore, #tpu.memory_space<semaphore_mem>>)
      %dma_wait3A = arith.constant 0 : i32
      %dma_wait3A_316 = arith.constant 0 : i32
      %dma_wait3A_317 = tpu.memref_slice %arg7[%run_scoped3A_284, %dma_wait3A, %dma_wait3A_316] : memref<4x128x64xf32, #tpu.memory_space<vmem>> -> memref<1x113x64xf32, #tpu.memory_space<vmem>>
      %dma_wait3A_318 = tpu.memref_squeeze %dma_wait3A_317 : memref<1x113x64xf32, #tpu.memory_space<vmem>> -> memref<113x64xf32, #tpu.memory_space<vmem>>
      %dma_wait3A_319 = arith.constant 0 : i32
      %dma_wait3A_320 = tpu.memref_slice %arg12[%add3A_283, %dma_wait3A_319] : memref<10000x64xf32, #tpu.memory_space<vmem_shared>> -> memref<113x64xf32, #tpu.memory_space<vmem_shared>>
      %dma_wait3A_321 = arith.constant 0 : i32
      %dma_wait3A_322 = tpu.memref_slice %arg12[%add3A_283, %dma_wait3A_321] : memref<10000x64xf32, #tpu.memory_space<vmem_shared>> -> memref<113x64xf32, #tpu.memory_space<vmem_shared>>
      %dma_wait3A_323 = arith.constant 0 : i32
      %dma_wait3A_324 = arith.constant 0 : i32
      %dma_wait3A_325 = tpu.memref_slice %arg7[%run_scoped3A_284, %dma_wait3A_323, %dma_wait3A_324] : memref<4x128x64xf32, #tpu.memory_space<vmem>> -> memref<1x113x64xf32, #tpu.memory_space<vmem>>
      %dma_wait3A_326 = tpu.memref_squeeze %dma_wait3A_325 : memref<1x113x64xf32, #tpu.memory_space<vmem>> -> memref<113x64xf32, #tpu.memory_space<vmem>>
      tpu.wait_dma2 semaphore(%run_scoped3A_303 : memref<!tpu.dma_semaphore, #tpu.memory_space<semaphore_mem>>) src(%dma_wait3A_326 : memref<113x64xf32, #tpu.memory_space<vmem>>) dst(%dma_wait3A_322 : memref<113x64xf32, #tpu.memory_space<vmem_shared>>)
      tpu.yield
    }) : () -> ()
    %mul3A_285 = arith.constant 10000 : i32
    %mul3A_286 = arith.muli %arg0, %mul3A_285 : i32
    %add3A_287 = arith.addi %mul3A_286, %mul3A_270 : i32
    "tpu.region"() ({
      %run_scoped3A_303 = tpu.sem_alloc : memref<!tpu.dma_semaphore, #tpu.memory_space<semaphore_mem>>
      %dma_start3A_304 = arith.constant 0 : i32
      %dma_start3A_305 = tpu.memref_slice %arg11[%mul3A_270, %dma_start3A_304] : memref<10000x64xf32, #tpu.memory_space<vmem_shared>> -> memref<625x64xf32, #tpu.memory_space<vmem_shared>>
      %dma_start3A_306 = arith.constant 0 : i32
      %dma_start3A_307 = tpu.memref_slice %arg2[%add3A_287, %dma_start3A_306] : memref<20000x64xf32, #tpu.memory_space<hbm>> -> memref<625x64xf32, #tpu.memory_space<hbm>>
      tpu.enqueue_dma source(%dma_start3A_307 : memref<625x64xf32, #tpu.memory_space<hbm>>) target(%dma_start3A_305 : memref<625x64xf32, #tpu.memory_space<vmem_shared>>) target_semaphore(%run_scoped3A_303 : memref<!tpu.dma_semaphore, #tpu.memory_space<semaphore_mem>>)
      %dma_wait3A = arith.constant 0 : i32
      %dma_wait3A_308 = tpu.memref_slice %arg11[%mul3A_270, %dma_wait3A] : memref<10000x64xf32, #tpu.memory_space<vmem_shared>> -> memref<625x64xf32, #tpu.memory_space<vmem_shared>>
      %dma_wait3A_309 = arith.constant 0 : i32
      %dma_wait3A_310 = tpu.memref_slice %arg2[%add3A_287, %dma_wait3A_309] : memref<20000x64xf32, #tpu.memory_space<hbm>> -> memref<625x64xf32, #tpu.memory_space<hbm>>
      tpu.wait_dma2 semaphore(%run_scoped3A_303 : memref<!tpu.dma_semaphore, #tpu.memory_space<semaphore_mem>>) src(%dma_wait3A_310 : memref<625x64xf32, #tpu.memory_space<hbm>>) dst(%dma_wait3A_308 : memref<625x64xf32, #tpu.memory_space<vmem_shared>>)
      tpu.yield
    }) : () -> ()
    %barrier3A = arith.constant 0 : index
    tpu.barrier barrier_id(%barrier3A)
    %scan3A_288 = arith.constant 0 : i32
    %scan3A_289 = arith.constant 0 : i32
    %scan3A_290 = arith.constant 39 : i32
    %scan3A_291 = arith.addi %scan3A_289, %scan3A_290 : i32
    %scan3A_292 = arith.constant 1 : i32
    %scan3A_293 = scf.for %scan3A_303 = %scan3A_289 to %scan3A_291 step %scan3A_292 iter_args(%scan3A_304 = %scan3A_288) -> (i32)  : i32 {
      %mul3A_305 = arith.constant 4 : i32
      %mul3A_306 = arith.muli %scan3A_303, %mul3A_305 : i32
      %rem3A = arith.constant 2 : i32
      %rem3A_307 = arith.remsi %scan3A_303, %rem3A : i32
      %mul3A_308 = arith.constant 4 : i32
      %mul3A_309 = arith.muli %rem3A_307, %mul3A_308 : i32
      %add3A_310 = arith.constant 0 : i32
      %add3A_311 = arith.addi %mul3A_306, %add3A_310 : i32
      %add3A_312 = arith.constant 0 : i32
      %add3A_313 = arith.addi %mul3A_309, %add3A_312 : i32
      %mul3A_314 = arith.constant 128 : i32
      %mul3A_315 = arith.muli %add3A_311, %mul3A_314 : i32
      %add3A_316 = arith.addi %multiple_of3A, %mul3A_315 : i32
      %multiple_of3A_317 = tpu.assume_multiple %add3A_316, 8 : i32
      %dma_wait3A = arith.constant 0 : i32
      %dma_wait3A_318 = arith.constant 0 : i32
      %dma_wait3A_319 = tpu.memref_slice %arg5[%add3A_313, %dma_wait3A_318] : memref<8x128xi32, #tpu.memory_space<vmem>> -> memref<1x128xi32, #tpu.memory_space<vmem>>
      %dma_wait3A_320 = tpu.memref_squeeze %dma_wait3A_319 : memref<1x128xi32, #tpu.memory_space<vmem>> -> memref<128xi32, #tpu.memory_space<vmem>>
      %dma_wait3A_321 = tpu.memref_slice %arg3[%dma_wait3A, %multiple_of3A_317] : memref<2x320000xi32, #tpu.memory_space<hbm>> -> memref<1x128xi32, #tpu.memory_space<hbm>>
      %dma_wait3A_322 = tpu.memref_squeeze %dma_wait3A_321 : memref<1x128xi32, #tpu.memory_space<hbm>> -> memref<128xi32, #tpu.memory_space<hbm>>
      %dma_wait3A_323 = tpu.memref_slice %arg13[%add3A_313] : memref<8x!tpu.dma_semaphore, #tpu.memory_space<semaphore_mem>> -> memref<1x!tpu.dma_semaphore, #tpu.memory_space<semaphore_mem>>
      %dma_wait3A_324 = tpu.memref_squeeze %dma_wait3A_323 : memref<1x!tpu.dma_semaphore, #tpu.memory_space<semaphore_mem>> -> memref<!tpu.dma_semaphore, #tpu.memory_space<semaphore_mem>>
      %dma_wait3A_325 = arith.constant 0 : i32
      %dma_wait3A_326 = tpu.memref_slice %arg5[%add3A_313, %dma_wait3A_325] : memref<8x128xi32, #tpu.memory_space<vmem>> -> memref<1x128xi32, #tpu.memory_space<vmem>>
      %dma_wait3A_327 = tpu.memref_squeeze %dma_wait3A_326 : memref<1x128xi32, #tpu.memory_space<vmem>> -> memref<128xi32, #tpu.memory_space<vmem>>
      %dma_wait3A_328 = tpu.memref_slice %arg3[%dma_wait3A, %multiple_of3A_317] : memref<2x320000xi32, #tpu.memory_space<hbm>> -> memref<1x128xi32, #tpu.memory_space<hbm>>
      %dma_wait3A_329 = tpu.memref_squeeze %dma_wait3A_328 : memref<1x128xi32, #tpu.memory_space<hbm>> -> memref<128xi32, #tpu.memory_space<hbm>>
      tpu.wait_dma2 semaphore(%dma_wait3A_324 : memref<!tpu.dma_semaphore, #tpu.memory_space<semaphore_mem>>) src(%dma_wait3A_329 : memref<128xi32, #tpu.memory_space<hbm>>) dst(%dma_wait3A_327 : memref<128xi32, #tpu.memory_space<vmem>>)
      %dma_wait3A_330 = arith.constant 1 : i32
      %dma_wait3A_331 = arith.constant 0 : i32
      %dma_wait3A_332 = tpu.memref_slice %arg6[%add3A_313, %dma_wait3A_331] : memref<8x128xi32, #tpu.memory_space<vmem>> -> memref<1x128xi32, #tpu.memory_space<vmem>>
      %dma_wait3A_333 = tpu.memref_squeeze %dma_wait3A_332 : memref<1x128xi32, #tpu.memory_space<vmem>> -> memref<128xi32, #tpu.memory_space<vmem>>
      %dma_wait3A_334 = tpu.memref_slice %arg3[%dma_wait3A_330, %multiple_of3A_317] : memref<2x320000xi32, #tpu.memory_space<hbm>> -> memref<1x128xi32, #tpu.memory_space<hbm>>
      %dma_wait3A_335 = tpu.memref_squeeze %dma_wait3A_334 : memref<1x128xi32, #tpu.memory_space<hbm>> -> memref<128xi32, #tpu.memory_space<hbm>>
      %dma_wait3A_336 = tpu.memref_slice %arg13[%add3A_313] : memref<8x!tpu.dma_semaphore, #tpu.memory_space<semaphore_mem>> -> memref<1x!tpu.dma_semaphore, #tpu.memory_space<semaphore_mem>>
      %dma_wait3A_337 = tpu.memref_squeeze %dma_wait3A_336 : memref<1x!tpu.dma_semaphore, #tpu.memory_space<semaphore_mem>> -> memref<!tpu.dma_semaphore, #tpu.memory_space<semaphore_mem>>
      %dma_wait3A_338 = arith.constant 0 : i32
      %dma_wait3A_339 = tpu.memref_slice %arg6[%add3A_313, %dma_wait3A_338] : memref<8x128xi32, #tpu.memory_space<vmem>> -> memref<1x128xi32, #tpu.memory_space<vmem>>
      %dma_wait3A_340 = tpu.memref_squeeze %dma_wait3A_339 : memref<1x128xi32, #tpu.memory_space<vmem>> -> memref<128xi32, #tpu.memory_space<vmem>>
      %dma_wait3A_341 = tpu.memref_slice %arg3[%dma_wait3A_330, %multiple_of3A_317] : memref<2x320000xi32, #tpu.memory_space<hbm>> -> memref<1x128xi32, #tpu.memory_space<hbm>>
      %dma_wait3A_342 = tpu.memref_squeeze %dma_wait3A_341 : memref<1x128xi32, #tpu.memory_space<hbm>> -> memref<128xi32, #tpu.memory_space<hbm>>
      tpu.wait_dma2 semaphore(%dma_wait3A_337 : memref<!tpu.dma_semaphore, #tpu.memory_space<semaphore_mem>>) src(%dma_wait3A_342 : memref<128xi32, #tpu.memory_space<hbm>>) dst(%dma_wait3A_340 : memref<128xi32, #tpu.memory_space<vmem>>)
      %add3A_343 = arith.constant 0 : i32
      %add3A_344 = arith.addi %mul3A_309, %add3A_343 : i32
      %dma_start3A_345 = arith.constant 0 : i32
      %dma_start3A_346 = arith.constant 0 : i32
      %dma_start3A_347 = arith.constant 0 : i32
      %dma_start3A_348 = arith.constant 0 : i32
      %dma_start3A_349 = tpu.memref_slice %arg7[%dma_start3A_345, %dma_start3A_347, %dma_start3A_348] : memref<4x128x64xf32, #tpu.memory_space<vmem>> -> memref<1x128x64xf32, #tpu.memory_space<vmem>>
      %dma_start3A_350 = tpu.memref_squeeze %dma_start3A_349 : memref<1x128x64xf32, #tpu.memory_space<vmem>> -> memref<128x64xf32, #tpu.memory_space<vmem>>
      %dma_start3A_351 = arith.constant 0 : i32
      %dma_start3A_352 = tpu.memref_slice %arg5[%add3A_344, %dma_start3A_351] : memref<8x128xi32, #tpu.memory_space<vmem>> -> memref<1x128xi32, #tpu.memory_space<vmem>>
      %dma_start3A_353 = tpu.memref_squeeze %dma_start3A_352 : memref<1x128xi32, #tpu.memory_space<vmem>> -> memref<128xi32, #tpu.memory_space<vmem>>
      %dma_start3A_354 = arith.constant 0 : i32
      %dma_start3A_355 = arith.constant 0 : i32
      %dma_start3A_356 = tpu.memref_slice %arg11[%dma_start3A_354, %dma_start3A_355] : memref<10000x64xf32, #tpu.memory_space<vmem_shared>> -> memref<10000x64xf32, #tpu.memory_space<vmem_shared>>
      %dma_start3A_357 = tpu.memref_slice %arg14[%dma_start3A_346] : memref<4x!tpu.dma_semaphore, #tpu.memory_space<semaphore_mem>> -> memref<1x!tpu.dma_semaphore, #tpu.memory_space<semaphore_mem>>
      %dma_start3A_358 = tpu.memref_squeeze %dma_start3A_357 : memref<1x!tpu.dma_semaphore, #tpu.memory_space<semaphore_mem>> -> memref<!tpu.dma_semaphore, #tpu.memory_space<semaphore_mem>>
      tpu.enqueue_indirect_dma source(%dma_start3A_356 : memref<10000x64xf32, #tpu.memory_space<vmem_shared>>) target(%dma_start3A_350 : memref<128x64xf32, #tpu.memory_space<vmem>>) offsets(%dma_start3A_353 : memref<128xi32, #tpu.memory_space<vmem>>) semaphore(%dma_start3A_358 : memref<!tpu.dma_semaphore, #tpu.memory_space<semaphore_mem>>)
      %add3A_359 = arith.constant 1 : i32
      %add3A_360 = arith.addi %mul3A_306, %add3A_359 : i32
      %add3A_361 = arith.constant 1 : i32
      %add3A_362 = arith.addi %mul3A_309, %add3A_361 : i32
      %mul3A_363 = arith.constant 128 : i32
      %mul3A_364 = arith.muli %add3A_360, %mul3A_363 : i32
      %add3A_365 = arith.addi %multiple_of3A, %mul3A_364 : i32
      %multiple_of3A_366 = tpu.assume_multiple %add3A_365, 8 : i32
      %dma_wait3A_367 = arith.constant 0 : i32
      %dma_wait3A_368 = arith.constant 0 : i32
      %dma_wait3A_369 = tpu.memref_slice %arg5[%add3A_362, %dma_wait3A_368] : memref<8x128xi32, #tpu.memory_space<vmem>> -> memref<1x128xi32, #tpu.memory_space<vmem>>
      %dma_wait3A_370 = tpu.memref_squeeze %dma_wait3A_369 : memref<1x128xi32, #tpu.memory_space<vmem>> -> memref<128xi32, #tpu.memory_space<vmem>>
      %dma_wait3A_371 = tpu.memref_slice %arg3[%dma_wait3A_367, %multiple_of3A_366] : memref<2x320000xi32, #tpu.memory_space<hbm>> -> memref<1x128xi32, #tpu.memory_space<hbm>>
      %dma_wait3A_372 = tpu.memref_squeeze %dma_wait3A_371 : memref<1x128xi32, #tpu.memory_space<hbm>> -> memref<128xi32, #tpu.memory_space<hbm>>
      %dma_wait3A_373 = tpu.memref_slice %arg13[%add3A_362] : memref<8x!tpu.dma_semaphore, #tpu.memory_space<semaphore_mem>> -> memref<1x!tpu.dma_semaphore, #tpu.memory_space<semaphore_mem>>
      %dma_wait3A_374 = tpu.memref_squeeze %dma_wait3A_373 : memref<1x!tpu.dma_semaphore, #tpu.memory_space<semaphore_mem>> -> memref<!tpu.dma_semaphore, #tpu.memory_space<semaphore_mem>>
      %dma_wait3A_375 = arith.constant 0 : i32
      %dma_wait3A_376 = tpu.memref_slice %arg5[%add3A_362, %dma_wait3A_375] : memref<8x128xi32, #tpu.memory_space<vmem>> -> memref<1x128xi32, #tpu.memory_space<vmem>>
      %dma_wait3A_377 = tpu.memref_squeeze %dma_wait3A_376 : memref<1x128xi32, #tpu.memory_space<vmem>> -> memref<128xi32, #tpu.memory_space<vmem>>
      %dma_wait3A_378 = tpu.memref_slice %arg3[%dma_wait3A_367, %multiple_of3A_366] : memref<2x320000xi32, #tpu.memory_space<hbm>> -> memref<1x128xi32, #tpu.memory_space<hbm>>
      %dma_wait3A_379 = tpu.memref_squeeze %dma_wait3A_378 : memref<1x128xi32, #tpu.memory_space<hbm>> -> memref<128xi32, #tpu.memory_space<hbm>>
      tpu.wait_dma2 semaphore(%dma_wait3A_374 : memref<!tpu.dma_semaphore, #tpu.memory_space<semaphore_mem>>) src(%dma_wait3A_379 : memref<128xi32, #tpu.memory_space<hbm>>) dst(%dma_wait3A_377 : memref<128xi32, #tpu.memory_space<vmem>>)
      %dma_wait3A_380 = arith.constant 1 : i32
      %dma_wait3A_381 = arith.constant 0 : i32
      %dma_wait3A_382 = tpu.memref_slice %arg6[%add3A_362, %dma_wait3A_381] : memref<8x128xi32, #tpu.memory_space<vmem>> -> memref<1x128xi32, #tpu.memory_space<vmem>>
      %dma_wait3A_383 = tpu.memref_squeeze %dma_wait3A_382 : memref<1x128xi32, #tpu.memory_space<vmem>> -> memref<128xi32, #tpu.memory_space<vmem>>
      %dma_wait3A_384 = tpu.memref_slice %arg3[%dma_wait3A_380, %multiple_of3A_366] : memref<2x320000xi32, #tpu.memory_space<hbm>> -> memref<1x128xi32, #tpu.memory_space<hbm>>
      %dma_wait3A_385 = tpu.memref_squeeze %dma_wait3A_384 : memref<1x128xi32, #tpu.memory_space<hbm>> -> memref<128xi32, #tpu.memory_space<hbm>>
      %dma_wait3A_386 = tpu.memref_slice %arg13[%add3A_362] : memref<8x!tpu.dma_semaphore, #tpu.memory_space<semaphore_mem>> -> memref<1x!tpu.dma_semaphore, #tpu.memory_space<semaphore_mem>>
      %dma_wait3A_387 = tpu.memref_squeeze %dma_wait3A_386 : memref<1x!tpu.dma_semaphore, #tpu.memory_space<semaphore_mem>> -> memref<!tpu.dma_semaphore, #tpu.memory_space<semaphore_mem>>
      %dma_wait3A_388 = arith.constant 0 : i32
      %dma_wait3A_389 = tpu.memref_slice %arg6[%add3A_362, %dma_wait3A_388] : memref<8x128xi32, #tpu.memory_space<vmem>> -> memref<1x128xi32, #tpu.memory_space<vmem>>
      %dma_wait3A_390 = tpu.memref_squeeze %dma_wait3A_389 : memref<1x128xi32, #tpu.memory_space<vmem>> -> memref<128xi32, #tpu.memory_space<vmem>>
      %dma_wait3A_391 = tpu.memref_slice %arg3[%dma_wait3A_380, %multiple_of3A_366] : memref<2x320000xi32, #tpu.memory_space<hbm>> -> memref<1x128xi32, #tpu.memory_space<hbm>>
      %dma_wait3A_392 = tpu.memref_squeeze %dma_wait3A_391 : memref<1x128xi32, #tpu.memory_space<hbm>> -> memref<128xi32, #tpu.memory_space<hbm>>
      tpu.wait_dma2 semaphore(%dma_wait3A_387 : memref<!tpu.dma_semaphore, #tpu.memory_space<semaphore_mem>>) src(%dma_wait3A_392 : memref<128xi32, #tpu.memory_space<hbm>>) dst(%dma_wait3A_390 : memref<128xi32, #tpu.memory_space<vmem>>)
      %add3A_393 = arith.constant 1 : i32
      %add3A_394 = arith.addi %mul3A_309, %add3A_393 : i32
      %dma_start3A_395 = arith.constant 1 : i32
      %dma_start3A_396 = arith.constant 1 : i32
      %dma_start3A_397 = arith.constant 0 : i32
      %dma_start3A_398 = arith.constant 0 : i32
      %dma_start3A_399 = tpu.memref_slice %arg7[%dma_start3A_395, %dma_start3A_397, %dma_start3A_398] : memref<4x128x64xf32, #tpu.memory_space<vmem>> -> memref<1x128x64xf32, #tpu.memory_space<vmem>>
      %dma_start3A_400 = tpu.memref_squeeze %dma_start3A_399 : memref<1x128x64xf32, #tpu.memory_space<vmem>> -> memref<128x64xf32, #tpu.memory_space<vmem>>
      %dma_start3A_401 = arith.constant 0 : i32
      %dma_start3A_402 = tpu.memref_slice %arg5[%add3A_394, %dma_start3A_401] : memref<8x128xi32, #tpu.memory_space<vmem>> -> memref<1x128xi32, #tpu.memory_space<vmem>>
      %dma_start3A_403 = tpu.memref_squeeze %dma_start3A_402 : memref<1x128xi32, #tpu.memory_space<vmem>> -> memref<128xi32, #tpu.memory_space<vmem>>
      %dma_start3A_404 = arith.constant 0 : i32
      %dma_start3A_405 = arith.constant 0 : i32
      %dma_start3A_406 = tpu.memref_slice %arg11[%dma_start3A_404, %dma_start3A_405] : memref<10000x64xf32, #tpu.memory_space<vmem_shared>> -> memref<10000x64xf32, #tpu.memory_space<vmem_shared>>
      %dma_start3A_407 = tpu.memref_slice %arg14[%dma_start3A_396] : memref<4x!tpu.dma_semaphore, #tpu.memory_space<semaphore_mem>> -> memref<1x!tpu.dma_semaphore, #tpu.memory_space<semaphore_mem>>
      %dma_start3A_408 = tpu.memref_squeeze %dma_start3A_407 : memref<1x!tpu.dma_semaphore, #tpu.memory_space<semaphore_mem>> -> memref<!tpu.dma_semaphore, #tpu.memory_space<semaphore_mem>>
      tpu.enqueue_indirect_dma source(%dma_start3A_406 : memref<10000x64xf32, #tpu.memory_space<vmem_shared>>) target(%dma_start3A_400 : memref<128x64xf32, #tpu.memory_space<vmem>>) offsets(%dma_start3A_403 : memref<128xi32, #tpu.memory_space<vmem>>) semaphore(%dma_start3A_408 : memref<!tpu.dma_semaphore, #tpu.memory_space<semaphore_mem>>)
      %add3A_409 = arith.constant 2 : i32
      %add3A_410 = arith.addi %mul3A_306, %add3A_409 : i32
      %add3A_411 = arith.constant 2 : i32
      %add3A_412 = arith.addi %mul3A_309, %add3A_411 : i32
      %mul3A_413 = arith.constant 128 : i32
      %mul3A_414 = arith.muli %add3A_410, %mul3A_413 : i32
      %add3A_415 = arith.addi %multiple_of3A, %mul3A_414 : i32
      %multiple_of3A_416 = tpu.assume_multiple %add3A_415, 8 : i32
      %dma_wait3A_417 = arith.constant 0 : i32
      %dma_wait3A_418 = arith.constant 0 : i32
      %dma_wait3A_419 = tpu.memref_slice %arg5[%add3A_412, %dma_wait3A_418] : memref<8x128xi32, #tpu.memory_space<vmem>> -> memref<1x128xi32, #tpu.memory_space<vmem>>
      %dma_wait3A_420 = tpu.memref_squeeze %dma_wait3A_419 : memref<1x128xi32, #tpu.memory_space<vmem>> -> memref<128xi32, #tpu.memory_space<vmem>>
      %dma_wait3A_421 = tpu.memref_slice %arg3[%dma_wait3A_417, %multiple_of3A_416] : memref<2x320000xi32, #tpu.memory_space<hbm>> -> memref<1x128xi32, #tpu.memory_space<hbm>>
      %dma_wait3A_422 = tpu.memref_squeeze %dma_wait3A_421 : memref<1x128xi32, #tpu.memory_space<hbm>> -> memref<128xi32, #tpu.memory_space<hbm>>
      %dma_wait3A_423 = tpu.memref_slice %arg13[%add3A_412] : memref<8x!tpu.dma_semaphore, #tpu.memory_space<semaphore_mem>> -> memref<1x!tpu.dma_semaphore, #tpu.memory_space<semaphore_mem>>
      %dma_wait3A_424 = tpu.memref_squeeze %dma_wait3A_423 : memref<1x!tpu.dma_semaphore, #tpu.memory_space<semaphore_mem>> -> memref<!tpu.dma_semaphore, #tpu.memory_space<semaphore_mem>>
      %dma_wait3A_425 = arith.constant 0 : i32
      %dma_wait3A_426 = tpu.memref_slice %arg5[%add3A_412, %dma_wait3A_425] : memref<8x128xi32, #tpu.memory_space<vmem>> -> memref<1x128xi32, #tpu.memory_space<vmem>>
      %dma_wait3A_427 = tpu.memref_squeeze %dma_wait3A_426 : memref<1x128xi32, #tpu.memory_space<vmem>> -> memref<128xi32, #tpu.memory_space<vmem>>
      %dma_wait3A_428 = tpu.memref_slice %arg3[%dma_wait3A_417, %multiple_of3A_416] : memref<2x320000xi32, #tpu.memory_space<hbm>> -> memref<1x128xi32, #tpu.memory_space<hbm>>
      %dma_wait3A_429 = tpu.memref_squeeze %dma_wait3A_428 : memref<1x128xi32, #tpu.memory_space<hbm>> -> memref<128xi32, #tpu.memory_space<hbm>>
      tpu.wait_dma2 semaphore(%dma_wait3A_424 : memref<!tpu.dma_semaphore, #tpu.memory_space<semaphore_mem>>) src(%dma_wait3A_429 : memref<128xi32, #tpu.memory_space<hbm>>) dst(%dma_wait3A_427 : memref<128xi32, #tpu.memory_space<vmem>>)
      %dma_wait3A_430 = arith.constant 1 : i32
      %dma_wait3A_431 = arith.constant 0 : i32
      %dma_wait3A_432 = tpu.memref_slice %arg6[%add3A_412, %dma_wait3A_431] : memref<8x128xi32, #tpu.memory_space<vmem>> -> memref<1x128xi32, #tpu.memory_space<vmem>>
      %dma_wait3A_433 = tpu.memref_squeeze %dma_wait3A_432 : memref<1x128xi32, #tpu.memory_space<vmem>> -> memref<128xi32, #tpu.memory_space<vmem>>
      %dma_wait3A_434 = tpu.memref_slice %arg3[%dma_wait3A_430, %multiple_of3A_416] : memref<2x320000xi32, #tpu.memory_space<hbm>> -> memref<1x128xi32, #tpu.memory_space<hbm>>
      %dma_wait3A_435 = tpu.memref_squeeze %dma_wait3A_434 : memref<1x128xi32, #tpu.memory_space<hbm>> -> memref<128xi32, #tpu.memory_space<hbm>>
      %dma_wait3A_436 = tpu.memref_slice %arg13[%add3A_412] : memref<8x!tpu.dma_semaphore, #tpu.memory_space<semaphore_mem>> -> memref<1x!tpu.dma_semaphore, #tpu.memory_space<semaphore_mem>>
      %dma_wait3A_437 = tpu.memref_squeeze %dma_wait3A_436 : memref<1x!tpu.dma_semaphore, #tpu.memory_space<semaphore_mem>> -> memref<!tpu.dma_semaphore, #tpu.memory_space<semaphore_mem>>
      %dma_wait3A_438 = arith.constant 0 : i32
      %dma_wait3A_439 = tpu.memref_slice %arg6[%add3A_412, %dma_wait3A_438] : memref<8x128xi32, #tpu.memory_space<vmem>> -> memref<1x128xi32, #tpu.memory_space<vmem>>
      %dma_wait3A_440 = tpu.memref_squeeze %dma_wait3A_439 : memref<1x128xi32, #tpu.memory_space<vmem>> -> memref<128xi32, #tpu.memory_space<vmem>>
      %dma_wait3A_441 = tpu.memref_slice %arg3[%dma_wait3A_430, %multiple_of3A_416] : memref<2x320000xi32, #tpu.memory_space<hbm>> -> memref<1x128xi32, #tpu.memory_space<hbm>>
      %dma_wait3A_442 = tpu.memref_squeeze %dma_wait3A_441 : memref<1x128xi32, #tpu.memory_space<hbm>> -> memref<128xi32, #tpu.memory_space<hbm>>
      tpu.wait_dma2 semaphore(%dma_wait3A_437 : memref<!tpu.dma_semaphore, #tpu.memory_space<semaphore_mem>>) src(%dma_wait3A_442 : memref<128xi32, #tpu.memory_space<hbm>>) dst(%dma_wait3A_440 : memref<128xi32, #tpu.memory_space<vmem>>)
      %add3A_443 = arith.constant 2 : i32
      %add3A_444 = arith.addi %mul3A_309, %add3A_443 : i32
      %dma_start3A_445 = arith.constant 2 : i32
      %dma_start3A_446 = arith.constant 2 : i32
      %dma_start3A_447 = arith.constant 0 : i32
      %dma_start3A_448 = arith.constant 0 : i32
      %dma_start3A_449 = tpu.memref_slice %arg7[%dma_start3A_445, %dma_start3A_447, %dma_start3A_448] : memref<4x128x64xf32, #tpu.memory_space<vmem>> -> memref<1x128x64xf32, #tpu.memory_space<vmem>>
      %dma_start3A_450 = tpu.memref_squeeze %dma_start3A_449 : memref<1x128x64xf32, #tpu.memory_space<vmem>> -> memref<128x64xf32, #tpu.memory_space<vmem>>
      %dma_start3A_451 = arith.constant 0 : i32
      %dma_start3A_452 = tpu.memref_slice %arg5[%add3A_444, %dma_start3A_451] : memref<8x128xi32, #tpu.memory_space<vmem>> -> memref<1x128xi32, #tpu.memory_space<vmem>>
      %dma_start3A_453 = tpu.memref_squeeze %dma_start3A_452 : memref<1x128xi32, #tpu.memory_space<vmem>> -> memref<128xi32, #tpu.memory_space<vmem>>
      %dma_start3A_454 = arith.constant 0 : i32
      %dma_start3A_455 = arith.constant 0 : i32
      %dma_start3A_456 = tpu.memref_slice %arg11[%dma_start3A_454, %dma_start3A_455] : memref<10000x64xf32, #tpu.memory_space<vmem_shared>> -> memref<10000x64xf32, #tpu.memory_space<vmem_shared>>
      %dma_start3A_457 = tpu.memref_slice %arg14[%dma_start3A_446] : memref<4x!tpu.dma_semaphore, #tpu.memory_space<semaphore_mem>> -> memref<1x!tpu.dma_semaphore, #tpu.memory_space<semaphore_mem>>
      %dma_start3A_458 = tpu.memref_squeeze %dma_start3A_457 : memref<1x!tpu.dma_semaphore, #tpu.memory_space<semaphore_mem>> -> memref<!tpu.dma_semaphore, #tpu.memory_space<semaphore_mem>>
      tpu.enqueue_indirect_dma source(%dma_start3A_456 : memref<10000x64xf32, #tpu.memory_space<vmem_shared>>) target(%dma_start3A_450 : memref<128x64xf32, #tpu.memory_space<vmem>>) offsets(%dma_start3A_453 : memref<128xi32, #tpu.memory_space<vmem>>) semaphore(%dma_start3A_458 : memref<!tpu.dma_semaphore, #tpu.memory_space<semaphore_mem>>)
      %add3A_459 = arith.constant 3 : i32
      %add3A_460 = arith.addi %mul3A_306, %add3A_459 : i32
      %add3A_461 = arith.constant 3 : i32
      %add3A_462 = arith.addi %mul3A_309, %add3A_461 : i32
      %mul3A_463 = arith.constant 128 : i32
      %mul3A_464 = arith.muli %add3A_460, %mul3A_463 : i32
      %add3A_465 = arith.addi %multiple_of3A, %mul3A_464 : i32
      %multiple_of3A_466 = tpu.assume_multiple %add3A_465, 8 : i32
      %dma_wait3A_467 = arith.constant 0 : i32
      %dma_wait3A_468 = arith.constant 0 : i32
      %dma_wait3A_469 = tpu.memref_slice %arg5[%add3A_462, %dma_wait3A_468] : memref<8x128xi32, #tpu.memory_space<vmem>> -> memref<1x128xi32, #tpu.memory_space<vmem>>
      %dma_wait3A_470 = tpu.memref_squeeze %dma_wait3A_469 : memref<1x128xi32, #tpu.memory_space<vmem>> -> memref<128xi32, #tpu.memory_space<vmem>>
      %dma_wait3A_471 = tpu.memref_slice %arg3[%dma_wait3A_467, %multiple_of3A_466] : memref<2x320000xi32, #tpu.memory_space<hbm>> -> memref<1x128xi32, #tpu.memory_space<hbm>>
      %dma_wait3A_472 = tpu.memref_squeeze %dma_wait3A_471 : memref<1x128xi32, #tpu.memory_space<hbm>> -> memref<128xi32, #tpu.memory_space<hbm>>
      %dma_wait3A_473 = tpu.memref_slice %arg13[%add3A_462] : memref<8x!tpu.dma_semaphore, #tpu.memory_space<semaphore_mem>> -> memref<1x!tpu.dma_semaphore, #tpu.memory_space<semaphore_mem>>
      %dma_wait3A_474 = tpu.memref_squeeze %dma_wait3A_473 : memref<1x!tpu.dma_semaphore, #tpu.memory_space<semaphore_mem>> -> memref<!tpu.dma_semaphore, #tpu.memory_space<semaphore_mem>>
      %dma_wait3A_475 = arith.constant 0 : i32
      %dma_wait3A_476 = tpu.memref_slice %arg5[%add3A_462, %dma_wait3A_475] : memref<8x128xi32, #tpu.memory_space<vmem>> -> memref<1x128xi32, #tpu.memory_space<vmem>>
      %dma_wait3A_477 = tpu.memref_squeeze %dma_wait3A_476 : memref<1x128xi32, #tpu.memory_space<vmem>> -> memref<128xi32, #tpu.memory_space<vmem>>
      %dma_wait3A_478 = tpu.memref_slice %arg3[%dma_wait3A_467, %multiple_of3A_466] : memref<2x320000xi32, #tpu.memory_space<hbm>> -> memref<1x128xi32, #tpu.memory_space<hbm>>
      %dma_wait3A_479 = tpu.memref_squeeze %dma_wait3A_478 : memref<1x128xi32, #tpu.memory_space<hbm>> -> memref<128xi32, #tpu.memory_space<hbm>>
      tpu.wait_dma2 semaphore(%dma_wait3A_474 : memref<!tpu.dma_semaphore, #tpu.memory_space<semaphore_mem>>) src(%dma_wait3A_479 : memref<128xi32, #tpu.memory_space<hbm>>) dst(%dma_wait3A_477 : memref<128xi32, #tpu.memory_space<vmem>>)
      %dma_wait3A_480 = arith.constant 1 : i32
      %dma_wait3A_481 = arith.constant 0 : i32
      %dma_wait3A_482 = tpu.memref_slice %arg6[%add3A_462, %dma_wait3A_481] : memref<8x128xi32, #tpu.memory_space<vmem>> -> memref<1x128xi32, #tpu.memory_space<vmem>>
      %dma_wait3A_483 = tpu.memref_squeeze %dma_wait3A_482 : memref<1x128xi32, #tpu.memory_space<vmem>> -> memref<128xi32, #tpu.memory_space<vmem>>
      %dma_wait3A_484 = tpu.memref_slice %arg3[%dma_wait3A_480, %multiple_of3A_466] : memref<2x320000xi32, #tpu.memory_space<hbm>> -> memref<1x128xi32, #tpu.memory_space<hbm>>
      %dma_wait3A_485 = tpu.memref_squeeze %dma_wait3A_484 : memref<1x128xi32, #tpu.memory_space<hbm>> -> memref<128xi32, #tpu.memory_space<hbm>>
      %dma_wait3A_486 = tpu.memref_slice %arg13[%add3A_462] : memref<8x!tpu.dma_semaphore, #tpu.memory_space<semaphore_mem>> -> memref<1x!tpu.dma_semaphore, #tpu.memory_space<semaphore_mem>>
      %dma_wait3A_487 = tpu.memref_squeeze %dma_wait3A_486 : memref<1x!tpu.dma_semaphore, #tpu.memory_space<semaphore_mem>> -> memref<!tpu.dma_semaphore, #tpu.memory_space<semaphore_mem>>
      %dma_wait3A_488 = arith.constant 0 : i32
      %dma_wait3A_489 = tpu.memref_slice %arg6[%add3A_462, %dma_wait3A_488] : memref<8x128xi32, #tpu.memory_space<vmem>> -> memref<1x128xi32, #tpu.memory_space<vmem>>
      %dma_wait3A_490 = tpu.memref_squeeze %dma_wait3A_489 : memref<1x128xi32, #tpu.memory_space<vmem>> -> memref<128xi32, #tpu.memory_space<vmem>>
      %dma_wait3A_491 = tpu.memref_slice %arg3[%dma_wait3A_480, %multiple_of3A_466] : memref<2x320000xi32, #tpu.memory_space<hbm>> -> memref<1x128xi32, #tpu.memory_space<hbm>>
      %dma_wait3A_492 = tpu.memref_squeeze %dma_wait3A_491 : memref<1x128xi32, #tpu.memory_space<hbm>> -> memref<128xi32, #tpu.memory_space<hbm>>
      tpu.wait_dma2 semaphore(%dma_wait3A_487 : memref<!tpu.dma_semaphore, #tpu.memory_space<semaphore_mem>>) src(%dma_wait3A_492 : memref<128xi32, #tpu.memory_space<hbm>>) dst(%dma_wait3A_490 : memref<128xi32, #tpu.memory_space<vmem>>)
      %add3A_493 = arith.constant 3 : i32
      %add3A_494 = arith.addi %mul3A_309, %add3A_493 : i32
      %dma_start3A_495 = arith.constant 3 : i32
      %dma_start3A_496 = arith.constant 3 : i32
      %dma_start3A_497 = arith.constant 0 : i32
      %dma_start3A_498 = arith.constant 0 : i32
      %dma_start3A_499 = tpu.memref_slice %arg7[%dma_start3A_495, %dma_start3A_497, %dma_start3A_498] : memref<4x128x64xf32, #tpu.memory_space<vmem>> -> memref<1x128x64xf32, #tpu.memory_space<vmem>>
      %dma_start3A_500 = tpu.memref_squeeze %dma_start3A_499 : memref<1x128x64xf32, #tpu.memory_space<vmem>> -> memref<128x64xf32, #tpu.memory_space<vmem>>
      %dma_start3A_501 = arith.constant 0 : i32
      %dma_start3A_502 = tpu.memref_slice %arg5[%add3A_494, %dma_start3A_501] : memref<8x128xi32, #tpu.memory_space<vmem>> -> memref<1x128xi32, #tpu.memory_space<vmem>>
      %dma_start3A_503 = tpu.memref_squeeze %dma_start3A_502 : memref<1x128xi32, #tpu.memory_space<vmem>> -> memref<128xi32, #tpu.memory_space<vmem>>
      %dma_start3A_504 = arith.constant 0 : i32
      %dma_start3A_505 = arith.constant 0 : i32
      %dma_start3A_506 = tpu.memref_slice %arg11[%dma_start3A_504, %dma_start3A_505] : memref<10000x64xf32, #tpu.memory_space<vmem_shared>> -> memref<10000x64xf32, #tpu.memory_space<vmem_shared>>
      %dma_start3A_507 = tpu.memref_slice %arg14[%dma_start3A_496] : memref<4x!tpu.dma_semaphore, #tpu.memory_space<semaphore_mem>> -> memref<1x!tpu.dma_semaphore, #tpu.memory_space<semaphore_mem>>
      %dma_start3A_508 = tpu.memref_squeeze %dma_start3A_507 : memref<1x!tpu.dma_semaphore, #tpu.memory_space<semaphore_mem>> -> memref<!tpu.dma_semaphore, #tpu.memory_space<semaphore_mem>>
      tpu.enqueue_indirect_dma source(%dma_start3A_506 : memref<10000x64xf32, #tpu.memory_space<vmem_shared>>) target(%dma_start3A_500 : memref<128x64xf32, #tpu.memory_space<vmem>>) offsets(%dma_start3A_503 : memref<128xi32, #tpu.memory_space<vmem>>) semaphore(%dma_start3A_508 : memref<!tpu.dma_semaphore, #tpu.memory_space<semaphore_mem>>)
      %add3A_509 = arith.constant 0 : i32
      %add3A_510 = arith.addi %mul3A_309, %add3A_509 : i32
      %dma_wait3A_511 = arith.constant 0 : i32
      %dma_wait3A_512 = arith.constant 0 : i32
      %dma_wait3A_513 = arith.constant 0 : i32
      %dma_wait3A_514 = arith.constant 0 : i32
      %dma_wait3A_515 = tpu.memref_slice %arg7[%dma_wait3A_511, %dma_wait3A_513, %dma_wait3A_514] : memref<4x128x64xf32, #tpu.memory_space<vmem>> -> memref<1x128x64xf32, #tpu.memory_space<vmem>>
      %dma_wait3A_516 = tpu.memref_squeeze %dma_wait3A_515 : memref<1x128x64xf32, #tpu.memory_space<vmem>> -> memref<128x64xf32, #tpu.memory_space<vmem>>
      %dma_wait3A_517 = arith.constant 0 : i32
      %dma_wait3A_518 = tpu.memref_slice %arg5[%add3A_510, %dma_wait3A_517] : memref<8x128xi32, #tpu.memory_space<vmem>> -> memref<1x128xi32, #tpu.memory_space<vmem>>
      %dma_wait3A_519 = tpu.memref_squeeze %dma_wait3A_518 : memref<1x128xi32, #tpu.memory_space<vmem>> -> memref<128xi32, #tpu.memory_space<vmem>>
      %dma_wait3A_520 = arith.constant 0 : i32
      %dma_wait3A_521 = arith.constant 0 : i32
      %dma_wait3A_522 = tpu.memref_slice %arg11[%dma_wait3A_520, %dma_wait3A_521] : memref<10000x64xf32, #tpu.memory_space<vmem_shared>> -> memref<10000x64xf32, #tpu.memory_space<vmem_shared>>
      %dma_wait3A_523 = tpu.memref_slice %arg14[%dma_wait3A_512] : memref<4x!tpu.dma_semaphore, #tpu.memory_space<semaphore_mem>> -> memref<1x!tpu.dma_semaphore, #tpu.memory_space<semaphore_mem>>
      %dma_wait3A_524 = tpu.memref_squeeze %dma_wait3A_523 : memref<1x!tpu.dma_semaphore, #tpu.memory_space<semaphore_mem>> -> memref<!tpu.dma_semaphore, #tpu.memory_space<semaphore_mem>>
      tpu.wait_indirect_dma semaphore(%dma_wait3A_524 : memref<!tpu.dma_semaphore, #tpu.memory_space<semaphore_mem>>) src(%dma_wait3A_522 : memref<10000x64xf32, #tpu.memory_space<vmem_shared>>) dst(%dma_wait3A_516 : memref<128x64xf32, #tpu.memory_space<vmem>>)
      %add3A_525 = arith.constant 0 : i32
      %add3A_526 = arith.addi %mul3A_309, %add3A_525 : i32
      %dma_start3A_527 = arith.constant 0 : i32
      %dma_start3A_528 = arith.constant 0 : i32
      %dma_start3A_529 = arith.constant 0 : i32
      %dma_start3A_530 = arith.constant 0 : i32
      %dma_start3A_531 = tpu.memref_slice %arg7[%dma_start3A_527, %dma_start3A_529, %dma_start3A_530] : memref<4x128x64xf32, #tpu.memory_space<vmem>> -> memref<1x128x64xf32, #tpu.memory_space<vmem>>
      %dma_start3A_532 = tpu.memref_squeeze %dma_start3A_531 : memref<1x128x64xf32, #tpu.memory_space<vmem>> -> memref<128x64xf32, #tpu.memory_space<vmem>>
      %dma_start3A_533 = arith.constant 0 : i32
      %dma_start3A_534 = tpu.memref_slice %arg6[%add3A_526, %dma_start3A_533] : memref<8x128xi32, #tpu.memory_space<vmem>> -> memref<1x128xi32, #tpu.memory_space<vmem>>
      %dma_start3A_535 = tpu.memref_squeeze %dma_start3A_534 : memref<1x128xi32, #tpu.memory_space<vmem>> -> memref<128xi32, #tpu.memory_space<vmem>>
      %dma_start3A_536 = arith.constant 0 : i32
      %dma_start3A_537 = arith.constant 0 : i32
      %dma_start3A_538 = tpu.memref_slice %arg12[%dma_start3A_536, %dma_start3A_537] : memref<10000x64xf32, #tpu.memory_space<vmem_shared>> -> memref<10000x64xf32, #tpu.memory_space<vmem_shared>>
      %dma_start3A_539 = tpu.memref_slice %arg15[%dma_start3A_528] : memref<4x!tpu.dma_semaphore, #tpu.memory_space<semaphore_mem>> -> memref<1x!tpu.dma_semaphore, #tpu.memory_space<semaphore_mem>>
      %dma_start3A_540 = tpu.memref_squeeze %dma_start3A_539 : memref<1x!tpu.dma_semaphore, #tpu.memory_space<semaphore_mem>> -> memref<!tpu.dma_semaphore, #tpu.memory_space<semaphore_mem>>
      tpu.enqueue_indirect_dma source(%dma_start3A_532 : memref<128x64xf32, #tpu.memory_space<vmem>>) target(%dma_start3A_538 : memref<10000x64xf32, #tpu.memory_space<vmem_shared>>) offsets(%dma_start3A_535 : memref<128xi32, #tpu.memory_space<vmem>>) semaphore(%dma_start3A_540 : memref<!tpu.dma_semaphore, #tpu.memory_space<semaphore_mem>>) {add = true}
      %add3A_541 = arith.constant 1 : i32
      %add3A_542 = arith.addi %mul3A_309, %add3A_541 : i32
      %dma_wait3A_543 = arith.constant 1 : i32
      %dma_wait3A_544 = arith.constant 1 : i32
      %dma_wait3A_545 = arith.constant 0 : i32
      %dma_wait3A_546 = arith.constant 0 : i32
      %dma_wait3A_547 = tpu.memref_slice %arg7[%dma_wait3A_543, %dma_wait3A_545, %dma_wait3A_546] : memref<4x128x64xf32, #tpu.memory_space<vmem>> -> memref<1x128x64xf32, #tpu.memory_space<vmem>>
      %dma_wait3A_548 = tpu.memref_squeeze %dma_wait3A_547 : memref<1x128x64xf32, #tpu.memory_space<vmem>> -> memref<128x64xf32, #tpu.memory_space<vmem>>
      %dma_wait3A_549 = arith.constant 0 : i32
      %dma_wait3A_550 = tpu.memref_slice %arg5[%add3A_542, %dma_wait3A_549] : memref<8x128xi32, #tpu.memory_space<vmem>> -> memref<1x128xi32, #tpu.memory_space<vmem>>
      %dma_wait3A_551 = tpu.memref_squeeze %dma_wait3A_550 : memref<1x128xi32, #tpu.memory_space<vmem>> -> memref<128xi32, #tpu.memory_space<vmem>>
      %dma_wait3A_552 = arith.constant 0 : i32
      %dma_wait3A_553 = arith.constant 0 : i32
      %dma_wait3A_554 = tpu.memref_slice %arg11[%dma_wait3A_552, %dma_wait3A_553] : memref<10000x64xf32, #tpu.memory_space<vmem_shared>> -> memref<10000x64xf32, #tpu.memory_space<vmem_shared>>
      %dma_wait3A_555 = tpu.memref_slice %arg14[%dma_wait3A_544] : memref<4x!tpu.dma_semaphore, #tpu.memory_space<semaphore_mem>> -> memref<1x!tpu.dma_semaphore, #tpu.memory_space<semaphore_mem>>
      %dma_wait3A_556 = tpu.memref_squeeze %dma_wait3A_555 : memref<1x!tpu.dma_semaphore, #tpu.memory_space<semaphore_mem>> -> memref<!tpu.dma_semaphore, #tpu.memory_space<semaphore_mem>>
      tpu.wait_indirect_dma semaphore(%dma_wait3A_556 : memref<!tpu.dma_semaphore, #tpu.memory_space<semaphore_mem>>) src(%dma_wait3A_554 : memref<10000x64xf32, #tpu.memory_space<vmem_shared>>) dst(%dma_wait3A_548 : memref<128x64xf32, #tpu.memory_space<vmem>>)
      %add3A_557 = arith.constant 1 : i32
      %add3A_558 = arith.addi %mul3A_309, %add3A_557 : i32
      %dma_start3A_559 = arith.constant 1 : i32
      %dma_start3A_560 = arith.constant 1 : i32
      %dma_start3A_561 = arith.constant 0 : i32
      %dma_start3A_562 = arith.constant 0 : i32
      %dma_start3A_563 = tpu.memref_slice %arg7[%dma_start3A_559, %dma_start3A_561, %dma_start3A_562] : memref<4x128x64xf32, #tpu.memory_space<vmem>> -> memref<1x128x64xf32, #tpu.memory_space<vmem>>
      %dma_start3A_564 = tpu.memref_squeeze %dma_start3A_563 : memref<1x128x64xf32, #tpu.memory_space<vmem>> -> memref<128x64xf32, #tpu.memory_space<vmem>>
      %dma_start3A_565 = arith.constant 0 : i32
      %dma_start3A_566 = tpu.memref_slice %arg6[%add3A_558, %dma_start3A_565] : memref<8x128xi32, #tpu.memory_space<vmem>> -> memref<1x128xi32, #tpu.memory_space<vmem>>
      %dma_start3A_567 = tpu.memref_squeeze %dma_start3A_566 : memref<1x128xi32, #tpu.memory_space<vmem>> -> memref<128xi32, #tpu.memory_space<vmem>>
      %dma_start3A_568 = arith.constant 0 : i32
      %dma_start3A_569 = arith.constant 0 : i32
      %dma_start3A_570 = tpu.memref_slice %arg12[%dma_start3A_568, %dma_start3A_569] : memref<10000x64xf32, #tpu.memory_space<vmem_shared>> -> memref<10000x64xf32, #tpu.memory_space<vmem_shared>>
      %dma_start3A_571 = tpu.memref_slice %arg15[%dma_start3A_560] : memref<4x!tpu.dma_semaphore, #tpu.memory_space<semaphore_mem>> -> memref<1x!tpu.dma_semaphore, #tpu.memory_space<semaphore_mem>>
      %dma_start3A_572 = tpu.memref_squeeze %dma_start3A_571 : memref<1x!tpu.dma_semaphore, #tpu.memory_space<semaphore_mem>> -> memref<!tpu.dma_semaphore, #tpu.memory_space<semaphore_mem>>
      tpu.enqueue_indirect_dma source(%dma_start3A_564 : memref<128x64xf32, #tpu.memory_space<vmem>>) target(%dma_start3A_570 : memref<10000x64xf32, #tpu.memory_space<vmem_shared>>) offsets(%dma_start3A_567 : memref<128xi32, #tpu.memory_space<vmem>>) semaphore(%dma_start3A_572 : memref<!tpu.dma_semaphore, #tpu.memory_space<semaphore_mem>>) {add = true}
      %add3A_573 = arith.constant 2 : i32
      %add3A_574 = arith.addi %mul3A_309, %add3A_573 : i32
      %dma_wait3A_575 = arith.constant 2 : i32
      %dma_wait3A_576 = arith.constant 2 : i32
      %dma_wait3A_577 = arith.constant 0 : i32
      %dma_wait3A_578 = arith.constant 0 : i32
      %dma_wait3A_579 = tpu.memref_slice %arg7[%dma_wait3A_575, %dma_wait3A_577, %dma_wait3A_578] : memref<4x128x64xf32, #tpu.memory_space<vmem>> -> memref<1x128x64xf32, #tpu.memory_space<vmem>>
      %dma_wait3A_580 = tpu.memref_squeeze %dma_wait3A_579 : memref<1x128x64xf32, #tpu.memory_space<vmem>> -> memref<128x64xf32, #tpu.memory_space<vmem>>
      %dma_wait3A_581 = arith.constant 0 : i32
      %dma_wait3A_582 = tpu.memref_slice %arg5[%add3A_574, %dma_wait3A_581] : memref<8x128xi32, #tpu.memory_space<vmem>> -> memref<1x128xi32, #tpu.memory_space<vmem>>
      %dma_wait3A_583 = tpu.memref_squeeze %dma_wait3A_582 : memref<1x128xi32, #tpu.memory_space<vmem>> -> memref<128xi32, #tpu.memory_space<vmem>>
      %dma_wait3A_584 = arith.constant 0 : i32
      %dma_wait3A_585 = arith.constant 0 : i32
      %dma_wait3A_586 = tpu.memref_slice %arg11[%dma_wait3A_584, %dma_wait3A_585] : memref<10000x64xf32, #tpu.memory_space<vmem_shared>> -> memref<10000x64xf32, #tpu.memory_space<vmem_shared>>
      %dma_wait3A_587 = tpu.memref_slice %arg14[%dma_wait3A_576] : memref<4x!tpu.dma_semaphore, #tpu.memory_space<semaphore_mem>> -> memref<1x!tpu.dma_semaphore, #tpu.memory_space<semaphore_mem>>
      %dma_wait3A_588 = tpu.memref_squeeze %dma_wait3A_587 : memref<1x!tpu.dma_semaphore, #tpu.memory_space<semaphore_mem>> -> memref<!tpu.dma_semaphore, #tpu.memory_space<semaphore_mem>>
      tpu.wait_indirect_dma semaphore(%dma_wait3A_588 : memref<!tpu.dma_semaphore, #tpu.memory_space<semaphore_mem>>) src(%dma_wait3A_586 : memref<10000x64xf32, #tpu.memory_space<vmem_shared>>) dst(%dma_wait3A_580 : memref<128x64xf32, #tpu.memory_space<vmem>>)
      %add3A_589 = arith.constant 2 : i32
      %add3A_590 = arith.addi %mul3A_309, %add3A_589 : i32
      %dma_start3A_591 = arith.constant 2 : i32
      %dma_start3A_592 = arith.constant 2 : i32
      %dma_start3A_593 = arith.constant 0 : i32
      %dma_start3A_594 = arith.constant 0 : i32
      %dma_start3A_595 = tpu.memref_slice %arg7[%dma_start3A_591, %dma_start3A_593, %dma_start3A_594] : memref<4x128x64xf32, #tpu.memory_space<vmem>> -> memref<1x128x64xf32, #tpu.memory_space<vmem>>
      %dma_start3A_596 = tpu.memref_squeeze %dma_start3A_595 : memref<1x128x64xf32, #tpu.memory_space<vmem>> -> memref<128x64xf32, #tpu.memory_space<vmem>>
      %dma_start3A_597 = arith.constant 0 : i32
      %dma_start3A_598 = tpu.memref_slice %arg6[%add3A_590, %dma_start3A_597] : memref<8x128xi32, #tpu.memory_space<vmem>> -> memref<1x128xi32, #tpu.memory_space<vmem>>
      %dma_start3A_599 = tpu.memref_squeeze %dma_start3A_598 : memref<1x128xi32, #tpu.memory_space<vmem>> -> memref<128xi32, #tpu.memory_space<vmem>>
      %dma_start3A_600 = arith.constant 0 : i32
      %dma_start3A_601 = arith.constant 0 : i32
      %dma_start3A_602 = tpu.memref_slice %arg12[%dma_start3A_600, %dma_start3A_601] : memref<10000x64xf32, #tpu.memory_space<vmem_shared>> -> memref<10000x64xf32, #tpu.memory_space<vmem_shared>>
      %dma_start3A_603 = tpu.memref_slice %arg15[%dma_start3A_592] : memref<4x!tpu.dma_semaphore, #tpu.memory_space<semaphore_mem>> -> memref<1x!tpu.dma_semaphore, #tpu.memory_space<semaphore_mem>>
      %dma_start3A_604 = tpu.memref_squeeze %dma_start3A_603 : memref<1x!tpu.dma_semaphore, #tpu.memory_space<semaphore_mem>> -> memref<!tpu.dma_semaphore, #tpu.memory_space<semaphore_mem>>
      tpu.enqueue_indirect_dma source(%dma_start3A_596 : memref<128x64xf32, #tpu.memory_space<vmem>>) target(%dma_start3A_602 : memref<10000x64xf32, #tpu.memory_space<vmem_shared>>) offsets(%dma_start3A_599 : memref<128xi32, #tpu.memory_space<vmem>>) semaphore(%dma_start3A_604 : memref<!tpu.dma_semaphore, #tpu.memory_space<semaphore_mem>>) {add = true}
      %add3A_605 = arith.constant 3 : i32
      %add3A_606 = arith.addi %mul3A_309, %add3A_605 : i32
      %dma_wait3A_607 = arith.constant 3 : i32
      %dma_wait3A_608 = arith.constant 3 : i32
      %dma_wait3A_609 = arith.constant 0 : i32
      %dma_wait3A_610 = arith.constant 0 : i32
      %dma_wait3A_611 = tpu.memref_slice %arg7[%dma_wait3A_607, %dma_wait3A_609, %dma_wait3A_610] : memref<4x128x64xf32, #tpu.memory_space<vmem>> -> memref<1x128x64xf32, #tpu.memory_space<vmem>>
      %dma_wait3A_612 = tpu.memref_squeeze %dma_wait3A_611 : memref<1x128x64xf32, #tpu.memory_space<vmem>> -> memref<128x64xf32, #tpu.memory_space<vmem>>
      %dma_wait3A_613 = arith.constant 0 : i32
      %dma_wait3A_614 = tpu.memref_slice %arg5[%add3A_606, %dma_wait3A_613] : memref<8x128xi32, #tpu.memory_space<vmem>> -> memref<1x128xi32, #tpu.memory_space<vmem>>
      %dma_wait3A_615 = tpu.memref_squeeze %dma_wait3A_614 : memref<1x128xi32, #tpu.memory_space<vmem>> -> memref<128xi32, #tpu.memory_space<vmem>>
      %dma_wait3A_616 = arith.constant 0 : i32
      %dma_wait3A_617 = arith.constant 0 : i32
      %dma_wait3A_618 = tpu.memref_slice %arg11[%dma_wait3A_616, %dma_wait3A_617] : memref<10000x64xf32, #tpu.memory_space<vmem_shared>> -> memref<10000x64xf32, #tpu.memory_space<vmem_shared>>
      %dma_wait3A_619 = tpu.memref_slice %arg14[%dma_wait3A_608] : memref<4x!tpu.dma_semaphore, #tpu.memory_space<semaphore_mem>> -> memref<1x!tpu.dma_semaphore, #tpu.memory_space<semaphore_mem>>
      %dma_wait3A_620 = tpu.memref_squeeze %dma_wait3A_619 : memref<1x!tpu.dma_semaphore, #tpu.memory_space<semaphore_mem>> -> memref<!tpu.dma_semaphore, #tpu.memory_space<semaphore_mem>>
      tpu.wait_indirect_dma semaphore(%dma_wait3A_620 : memref<!tpu.dma_semaphore, #tpu.memory_space<semaphore_mem>>) src(%dma_wait3A_618 : memref<10000x64xf32, #tpu.memory_space<vmem_shared>>) dst(%dma_wait3A_612 : memref<128x64xf32, #tpu.memory_space<vmem>>)
      %add3A_621 = arith.constant 3 : i32
      %add3A_622 = arith.addi %mul3A_309, %add3A_621 : i32
      %dma_start3A_623 = arith.constant 3 : i32
      %dma_start3A_624 = arith.constant 3 : i32
      %dma_start3A_625 = arith.constant 0 : i32
      %dma_start3A_626 = arith.constant 0 : i32
      %dma_start3A_627 = tpu.memref_slice %arg7[%dma_start3A_623, %dma_start3A_625, %dma_start3A_626] : memref<4x128x64xf32, #tpu.memory_space<vmem>> -> memref<1x128x64xf32, #tpu.memory_space<vmem>>
      %dma_start3A_628 = tpu.memref_squeeze %dma_start3A_627 : memref<1x128x64xf32, #tpu.memory_space<vmem>> -> memref<128x64xf32, #tpu.memory_space<vmem>>
      %dma_start3A_629 = arith.constant 0 : i32
      %dma_start3A_630 = tpu.memref_slice %arg6[%add3A_622, %dma_start3A_629] : memref<8x128xi32, #tpu.memory_space<vmem>> -> memref<1x128xi32, #tpu.memory_space<vmem>>
      %dma_start3A_631 = tpu.memref_squeeze %dma_start3A_630 : memref<1x128xi32, #tpu.memory_space<vmem>> -> memref<128xi32, #tpu.memory_space<vmem>>
      %dma_start3A_632 = arith.constant 0 : i32
      %dma_start3A_633 = arith.constant 0 : i32
      %dma_start3A_634 = tpu.memref_slice %arg12[%dma_start3A_632, %dma_start3A_633] : memref<10000x64xf32, #tpu.memory_space<vmem_shared>> -> memref<10000x64xf32, #tpu.memory_space<vmem_shared>>
      %dma_start3A_635 = tpu.memref_slice %arg15[%dma_start3A_624] : memref<4x!tpu.dma_semaphore, #tpu.memory_space<semaphore_mem>> -> memref<1x!tpu.dma_semaphore, #tpu.memory_space<semaphore_mem>>
      %dma_start3A_636 = tpu.memref_squeeze %dma_start3A_635 : memref<1x!tpu.dma_semaphore, #tpu.memory_space<semaphore_mem>> -> memref<!tpu.dma_semaphore, #tpu.memory_space<semaphore_mem>>
      tpu.enqueue_indirect_dma source(%dma_start3A_628 : memref<128x64xf32, #tpu.memory_space<vmem>>) target(%dma_start3A_634 : memref<10000x64xf32, #tpu.memory_space<vmem_shared>>) offsets(%dma_start3A_631 : memref<128xi32, #tpu.memory_space<vmem>>) semaphore(%dma_start3A_636 : memref<!tpu.dma_semaphore, #tpu.memory_space<semaphore_mem>>) {add = true}
      %add3A_637 = arith.constant 0 : i32
      %add3A_638 = arith.addi %mul3A_306, %add3A_637 : i32
      %add3A_639 = arith.constant 0 : i32
      %add3A_640 = arith.addi %mul3A_309, %add3A_639 : i32
      %dma_wait3A_641 = arith.constant 0 : i32
      %dma_wait3A_642 = arith.constant 0 : i32
      %dma_wait3A_643 = arith.constant 0 : i32
      %dma_wait3A_644 = arith.constant 0 : i32
      %dma_wait3A_645 = tpu.memref_slice %arg7[%dma_wait3A_641, %dma_wait3A_643, %dma_wait3A_644] : memref<4x128x64xf32, #tpu.memory_space<vmem>> -> memref<1x128x64xf32, #tpu.memory_space<vmem>>
      %dma_wait3A_646 = tpu.memref_squeeze %dma_wait3A_645 : memref<1x128x64xf32, #tpu.memory_space<vmem>> -> memref<128x64xf32, #tpu.memory_space<vmem>>
      %dma_wait3A_647 = arith.constant 0 : i32
      %dma_wait3A_648 = tpu.memref_slice %arg6[%add3A_640, %dma_wait3A_647] : memref<8x128xi32, #tpu.memory_space<vmem>> -> memref<1x128xi32, #tpu.memory_space<vmem>>
      %dma_wait3A_649 = tpu.memref_squeeze %dma_wait3A_648 : memref<1x128xi32, #tpu.memory_space<vmem>> -> memref<128xi32, #tpu.memory_space<vmem>>
      %dma_wait3A_650 = arith.constant 0 : i32
      %dma_wait3A_651 = arith.constant 0 : i32
      %dma_wait3A_652 = tpu.memref_slice %arg12[%dma_wait3A_650, %dma_wait3A_651] : memref<10000x64xf32, #tpu.memory_space<vmem_shared>> -> memref<10000x64xf32, #tpu.memory_space<vmem_shared>>
      %dma_wait3A_653 = tpu.memref_slice %arg15[%dma_wait3A_642] : memref<4x!tpu.dma_semaphore, #tpu.memory_space<semaphore_mem>> -> memref<1x!tpu.dma_semaphore, #tpu.memory_space<semaphore_mem>>
      %dma_wait3A_654 = tpu.memref_squeeze %dma_wait3A_653 : memref<1x!tpu.dma_semaphore, #tpu.memory_space<semaphore_mem>> -> memref<!tpu.dma_semaphore, #tpu.memory_space<semaphore_mem>>
      tpu.wait_indirect_dma semaphore(%dma_wait3A_654 : memref<!tpu.dma_semaphore, #tpu.memory_space<semaphore_mem>>) src(%dma_wait3A_646 : memref<128x64xf32, #tpu.memory_space<vmem>>) dst(%dma_wait3A_652 : memref<10000x64xf32, #tpu.memory_space<vmem_shared>>)
      %lt3A = arith.constant 37 : i32
      %lt3A_655 = arith.cmpi slt, %scan3A_303, %lt3A : i32
      %convert_element_type3A = arith.extui %lt3A_655 : i1 to i32
      %cond3A = arith.constant 0 : i32
      %cond3A_656 = arith.cmpi ne, %convert_element_type3A, %cond3A : i32
      scf.if %cond3A_656 {
        %add3A_727 = arith.constant 8 : i32
        %add3A_728 = arith.addi %add3A_638, %add3A_727 : i32
        %add3A_729 = arith.constant 0 : i32
        %add3A_730 = arith.addi %mul3A_309, %add3A_729 : i32
        %mul3A_731 = arith.constant 128 : i32
        %mul3A_732 = arith.muli %add3A_728, %mul3A_731 : i32
        %add3A_733 = arith.addi %multiple_of3A, %mul3A_732 : i32
        %multiple_of3A_734 = tpu.assume_multiple %add3A_733, 8 : i32
        %dma_start3A_735 = arith.constant 0 : i32
        %dma_start3A_736 = arith.constant 0 : i32
        %dma_start3A_737 = tpu.memref_slice %arg5[%add3A_730, %dma_start3A_736] : memref<8x128xi32, #tpu.memory_space<vmem>> -> memref<1x128xi32, #tpu.memory_space<vmem>>
        %dma_start3A_738 = tpu.memref_squeeze %dma_start3A_737 : memref<1x128xi32, #tpu.memory_space<vmem>> -> memref<128xi32, #tpu.memory_space<vmem>>
        %dma_start3A_739 = tpu.memref_slice %arg3[%dma_start3A_735, %multiple_of3A_734] : memref<2x320000xi32, #tpu.memory_space<hbm>> -> memref<1x128xi32, #tpu.memory_space<hbm>>
        %dma_start3A_740 = tpu.memref_squeeze %dma_start3A_739 : memref<1x128xi32, #tpu.memory_space<hbm>> -> memref<128xi32, #tpu.memory_space<hbm>>
        %dma_start3A_741 = tpu.memref_slice %arg13[%add3A_730] : memref<8x!tpu.dma_semaphore, #tpu.memory_space<semaphore_mem>> -> memref<1x!tpu.dma_semaphore, #tpu.memory_space<semaphore_mem>>
        %dma_start3A_742 = tpu.memref_squeeze %dma_start3A_741 : memref<1x!tpu.dma_semaphore, #tpu.memory_space<semaphore_mem>> -> memref<!tpu.dma_semaphore, #tpu.memory_space<semaphore_mem>>
        %dma_start3A_743 = arith.constant 0 : i32
        %dma_start3A_744 = tpu.memref_slice %arg5[%add3A_730, %dma_start3A_743] : memref<8x128xi32, #tpu.memory_space<vmem>> -> memref<1x128xi32, #tpu.memory_space<vmem>>
        %dma_start3A_745 = tpu.memref_squeeze %dma_start3A_744 : memref<1x128xi32, #tpu.memory_space<vmem>> -> memref<128xi32, #tpu.memory_space<vmem>>
        %dma_start3A_746 = tpu.memref_slice %arg3[%dma_start3A_735, %multiple_of3A_734] : memref<2x320000xi32, #tpu.memory_space<hbm>> -> memref<1x128xi32, #tpu.memory_space<hbm>>
        %dma_start3A_747 = tpu.memref_squeeze %dma_start3A_746 : memref<1x128xi32, #tpu.memory_space<hbm>> -> memref<128xi32, #tpu.memory_space<hbm>>
        tpu.enqueue_dma source(%dma_start3A_747 : memref<128xi32, #tpu.memory_space<hbm>>) target(%dma_start3A_745 : memref<128xi32, #tpu.memory_space<vmem>>) target_semaphore(%dma_start3A_742 : memref<!tpu.dma_semaphore, #tpu.memory_space<semaphore_mem>>)
        %dma_start3A_748 = arith.constant 1 : i32
        %dma_start3A_749 = arith.constant 0 : i32
        %dma_start3A_750 = tpu.memref_slice %arg6[%add3A_730, %dma_start3A_749] : memref<8x128xi32, #tpu.memory_space<vmem>> -> memref<1x128xi32, #tpu.memory_space<vmem>>
        %dma_start3A_751 = tpu.memref_squeeze %dma_start3A_750 : memref<1x128xi32, #tpu.memory_space<vmem>> -> memref<128xi32, #tpu.memory_space<vmem>>
        %dma_start3A_752 = tpu.memref_slice %arg3[%dma_start3A_748, %multiple_of3A_734] : memref<2x320000xi32, #tpu.memory_space<hbm>> -> memref<1x128xi32, #tpu.memory_space<hbm>>
        %dma_start3A_753 = tpu.memref_squeeze %dma_start3A_752 : memref<1x128xi32, #tpu.memory_space<hbm>> -> memref<128xi32, #tpu.memory_space<hbm>>
        %dma_start3A_754 = tpu.memref_slice %arg13[%add3A_730] : memref<8x!tpu.dma_semaphore, #tpu.memory_space<semaphore_mem>> -> memref<1x!tpu.dma_semaphore, #tpu.memory_space<semaphore_mem>>
        %dma_start3A_755 = tpu.memref_squeeze %dma_start3A_754 : memref<1x!tpu.dma_semaphore, #tpu.memory_space<semaphore_mem>> -> memref<!tpu.dma_semaphore, #tpu.memory_space<semaphore_mem>>
        %dma_start3A_756 = arith.constant 0 : i32
        %dma_start3A_757 = tpu.memref_slice %arg6[%add3A_730, %dma_start3A_756] : memref<8x128xi32, #tpu.memory_space<vmem>> -> memref<1x128xi32, #tpu.memory_space<vmem>>
        %dma_start3A_758 = tpu.memref_squeeze %dma_start3A_757 : memref<1x128xi32, #tpu.memory_space<vmem>> -> memref<128xi32, #tpu.memory_space<vmem>>
        %dma_start3A_759 = tpu.memref_slice %arg3[%dma_start3A_748, %multiple_of3A_734] : memref<2x320000xi32, #tpu.memory_space<hbm>> -> memref<1x128xi32, #tpu.memory_space<hbm>>
        %dma_start3A_760 = tpu.memref_squeeze %dma_start3A_759 : memref<1x128xi32, #tpu.memory_space<hbm>> -> memref<128xi32, #tpu.memory_space<hbm>>
        tpu.enqueue_dma source(%dma_start3A_760 : memref<128xi32, #tpu.memory_space<hbm>>) target(%dma_start3A_758 : memref<128xi32, #tpu.memory_space<vmem>>) target_semaphore(%dma_start3A_755 : memref<!tpu.dma_semaphore, #tpu.memory_space<semaphore_mem>>)
      } else {
      }
      %add3A_657 = arith.constant 1 : i32
      %add3A_658 = arith.addi %mul3A_306, %add3A_657 : i32
      %add3A_659 = arith.constant 1 : i32
      %add3A_660 = arith.addi %mul3A_309, %add3A_659 : i32
      %dma_wait3A_661 = arith.constant 1 : i32
      %dma_wait3A_662 = arith.constant 1 : i32
      %dma_wait3A_663 = arith.constant 0 : i32
      %dma_wait3A_664 = arith.constant 0 : i32
      %dma_wait3A_665 = tpu.memref_slice %arg7[%dma_wait3A_661, %dma_wait3A_663, %dma_wait3A_664] : memref<4x128x64xf32, #tpu.memory_space<vmem>> -> memref<1x128x64xf32, #tpu.memory_space<vmem>>
      %dma_wait3A_666 = tpu.memref_squeeze %dma_wait3A_665 : memref<1x128x64xf32, #tpu.memory_space<vmem>> -> memref<128x64xf32, #tpu.memory_space<vmem>>
      %dma_wait3A_667 = arith.constant 0 : i32
      %dma_wait3A_668 = tpu.memref_slice %arg6[%add3A_660, %dma_wait3A_667] : memref<8x128xi32, #tpu.memory_space<vmem>> -> memref<1x128xi32, #tpu.memory_space<vmem>>
      %dma_wait3A_669 = tpu.memref_squeeze %dma_wait3A_668 : memref<1x128xi32, #tpu.memory_space<vmem>> -> memref<128xi32, #tpu.memory_space<vmem>>
      %dma_wait3A_670 = arith.constant 0 : i32
      %dma_wait3A_671 = arith.constant 0 : i32
      %dma_wait3A_672 = tpu.memref_slice %arg12[%dma_wait3A_670, %dma_wait3A_671] : memref<10000x64xf32, #tpu.memory_space<vmem_shared>> -> memref<10000x64xf32, #tpu.memory_space<vmem_shared>>
      %dma_wait3A_673 = tpu.memref_slice %arg15[%dma_wait3A_662] : memref<4x!tpu.dma_semaphore, #tpu.memory_space<semaphore_mem>> -> memref<1x!tpu.dma_semaphore, #tpu.memory_space<semaphore_mem>>
      %dma_wait3A_674 = tpu.memref_squeeze %dma_wait3A_673 : memref<1x!tpu.dma_semaphore, #tpu.memory_space<semaphore_mem>> -> memref<!tpu.dma_semaphore, #tpu.memory_space<semaphore_mem>>
      tpu.wait_indirect_dma semaphore(%dma_wait3A_674 : memref<!tpu.dma_semaphore, #tpu.memory_space<semaphore_mem>>) src(%dma_wait3A_666 : memref<128x64xf32, #tpu.memory_space<vmem>>) dst(%dma_wait3A_672 : memref<10000x64xf32, #tpu.memory_space<vmem_shared>>)
      %lt3A_675 = arith.constant 37 : i32
      %lt3A_676 = arith.cmpi slt, %scan3A_303, %lt3A_675 : i32
      %convert_element_type3A_677 = arith.extui %lt3A_676 : i1 to i32
      %cond3A_678 = arith.constant 0 : i32
      %cond3A_679 = arith.cmpi ne, %convert_element_type3A_677, %cond3A_678 : i32
      scf.if %cond3A_679 {
        %add3A_727 = arith.constant 8 : i32
        %add3A_728 = arith.addi %add3A_658, %add3A_727 : i32
        %add3A_729 = arith.constant 1 : i32
        %add3A_730 = arith.addi %mul3A_309, %add3A_729 : i32
        %mul3A_731 = arith.constant 128 : i32
        %mul3A_732 = arith.muli %add3A_728, %mul3A_731 : i32
        %add3A_733 = arith.addi %multiple_of3A, %mul3A_732 : i32
        %multiple_of3A_734 = tpu.assume_multiple %add3A_733, 8 : i32
        %dma_start3A_735 = arith.constant 0 : i32
        %dma_start3A_736 = arith.constant 0 : i32
        %dma_start3A_737 = tpu.memref_slice %arg5[%add3A_730, %dma_start3A_736] : memref<8x128xi32, #tpu.memory_space<vmem>> -> memref<1x128xi32, #tpu.memory_space<vmem>>
        %dma_start3A_738 = tpu.memref_squeeze %dma_start3A_737 : memref<1x128xi32, #tpu.memory_space<vmem>> -> memref<128xi32, #tpu.memory_space<vmem>>
        %dma_start3A_739 = tpu.memref_slice %arg3[%dma_start3A_735, %multiple_of3A_734] : memref<2x320000xi32, #tpu.memory_space<hbm>> -> memref<1x128xi32, #tpu.memory_space<hbm>>
        %dma_start3A_740 = tpu.memref_squeeze %dma_start3A_739 : memref<1x128xi32, #tpu.memory_space<hbm>> -> memref<128xi32, #tpu.memory_space<hbm>>
        %dma_start3A_741 = tpu.memref_slice %arg13[%add3A_730] : memref<8x!tpu.dma_semaphore, #tpu.memory_space<semaphore_mem>> -> memref<1x!tpu.dma_semaphore, #tpu.memory_space<semaphore_mem>>
        %dma_start3A_742 = tpu.memref_squeeze %dma_start3A_741 : memref<1x!tpu.dma_semaphore, #tpu.memory_space<semaphore_mem>> -> memref<!tpu.dma_semaphore, #tpu.memory_space<semaphore_mem>>
        %dma_start3A_743 = arith.constant 0 : i32
        %dma_start3A_744 = tpu.memref_slice %arg5[%add3A_730, %dma_start3A_743] : memref<8x128xi32, #tpu.memory_space<vmem>> -> memref<1x128xi32, #tpu.memory_space<vmem>>
        %dma_start3A_745 = tpu.memref_squeeze %dma_start3A_744 : memref<1x128xi32, #tpu.memory_space<vmem>> -> memref<128xi32, #tpu.memory_space<vmem>>
        %dma_start3A_746 = tpu.memref_slice %arg3[%dma_start3A_735, %multiple_of3A_734] : memref<2x320000xi32, #tpu.memory_space<hbm>> -> memref<1x128xi32, #tpu.memory_space<hbm>>
        %dma_start3A_747 = tpu.memref_squeeze %dma_start3A_746 : memref<1x128xi32, #tpu.memory_space<hbm>> -> memref<128xi32, #tpu.memory_space<hbm>>
        tpu.enqueue_dma source(%dma_start3A_747 : memref<128xi32, #tpu.memory_space<hbm>>) target(%dma_start3A_745 : memref<128xi32, #tpu.memory_space<vmem>>) target_semaphore(%dma_start3A_742 : memref<!tpu.dma_semaphore, #tpu.memory_space<semaphore_mem>>)
        %dma_start3A_748 = arith.constant 1 : i32
        %dma_start3A_749 = arith.constant 0 : i32
        %dma_start3A_750 = tpu.memref_slice %arg6[%add3A_730, %dma_start3A_749] : memref<8x128xi32, #tpu.memory_space<vmem>> -> memref<1x128xi32, #tpu.memory_space<vmem>>
        %dma_start3A_751 = tpu.memref_squeeze %dma_start3A_750 : memref<1x128xi32, #tpu.memory_space<vmem>> -> memref<128xi32, #tpu.memory_space<vmem>>
        %dma_start3A_752 = tpu.memref_slice %arg3[%dma_start3A_748, %multiple_of3A_734] : memref<2x320000xi32, #tpu.memory_space<hbm>> -> memref<1x128xi32, #tpu.memory_space<hbm>>
        %dma_start3A_753 = tpu.memref_squeeze %dma_start3A_752 : memref<1x128xi32, #tpu.memory_space<hbm>> -> memref<128xi32, #tpu.memory_space<hbm>>
        %dma_start3A_754 = tpu.memref_slice %arg13[%add3A_730] : memref<8x!tpu.dma_semaphore, #tpu.memory_space<semaphore_mem>> -> memref<1x!tpu.dma_semaphore, #tpu.memory_space<semaphore_mem>>
        %dma_start3A_755 = tpu.memref_squeeze %dma_start3A_754 : memref<1x!tpu.dma_semaphore, #tpu.memory_space<semaphore_mem>> -> memref<!tpu.dma_semaphore, #tpu.memory_space<semaphore_mem>>
        %dma_start3A_756 = arith.constant 0 : i32
        %dma_start3A_757 = tpu.memref_slice %arg6[%add3A_730, %dma_start3A_756] : memref<8x128xi32, #tpu.memory_space<vmem>> -> memref<1x128xi32, #tpu.memory_space<vmem>>
        %dma_start3A_758 = tpu.memref_squeeze %dma_start3A_757 : memref<1x128xi32, #tpu.memory_space<vmem>> -> memref<128xi32, #tpu.memory_space<vmem>>
        %dma_start3A_759 = tpu.memref_slice %arg3[%dma_start3A_748, %multiple_of3A_734] : memref<2x320000xi32, #tpu.memory_space<hbm>> -> memref<1x128xi32, #tpu.memory_space<hbm>>
        %dma_start3A_760 = tpu.memref_squeeze %dma_start3A_759 : memref<1x128xi32, #tpu.memory_space<hbm>> -> memref<128xi32, #tpu.memory_space<hbm>>
        tpu.enqueue_dma source(%dma_start3A_760 : memref<128xi32, #tpu.memory_space<hbm>>) target(%dma_start3A_758 : memref<128xi32, #tpu.memory_space<vmem>>) target_semaphore(%dma_start3A_755 : memref<!tpu.dma_semaphore, #tpu.memory_space<semaphore_mem>>)
      } else {
      }
      %add3A_680 = arith.constant 2 : i32
      %add3A_681 = arith.addi %mul3A_306, %add3A_680 : i32
      %add3A_682 = arith.constant 2 : i32
      %add3A_683 = arith.addi %mul3A_309, %add3A_682 : i32
      %dma_wait3A_684 = arith.constant 2 : i32
      %dma_wait3A_685 = arith.constant 2 : i32
      %dma_wait3A_686 = arith.constant 0 : i32
      %dma_wait3A_687 = arith.constant 0 : i32
      %dma_wait3A_688 = tpu.memref_slice %arg7[%dma_wait3A_684, %dma_wait3A_686, %dma_wait3A_687] : memref<4x128x64xf32, #tpu.memory_space<vmem>> -> memref<1x128x64xf32, #tpu.memory_space<vmem>>
      %dma_wait3A_689 = tpu.memref_squeeze %dma_wait3A_688 : memref<1x128x64xf32, #tpu.memory_space<vmem>> -> memref<128x64xf32, #tpu.memory_space<vmem>>
      %dma_wait3A_690 = arith.constant 0 : i32
      %dma_wait3A_691 = tpu.memref_slice %arg6[%add3A_683, %dma_wait3A_690] : memref<8x128xi32, #tpu.memory_space<vmem>> -> memref<1x128xi32, #tpu.memory_space<vmem>>
      %dma_wait3A_692 = tpu.memref_squeeze %dma_wait3A_691 : memref<1x128xi32, #tpu.memory_space<vmem>> -> memref<128xi32, #tpu.memory_space<vmem>>
      %dma_wait3A_693 = arith.constant 0 : i32
      %dma_wait3A_694 = arith.constant 0 : i32
      %dma_wait3A_695 = tpu.memref_slice %arg12[%dma_wait3A_693, %dma_wait3A_694] : memref<10000x64xf32, #tpu.memory_space<vmem_shared>> -> memref<10000x64xf32, #tpu.memory_space<vmem_shared>>
      %dma_wait3A_696 = tpu.memref_slice %arg15[%dma_wait3A_685] : memref<4x!tpu.dma_semaphore, #tpu.memory_space<semaphore_mem>> -> memref<1x!tpu.dma_semaphore, #tpu.memory_space<semaphore_mem>>
      %dma_wait3A_697 = tpu.memref_squeeze %dma_wait3A_696 : memref<1x!tpu.dma_semaphore, #tpu.memory_space<semaphore_mem>> -> memref<!tpu.dma_semaphore, #tpu.memory_space<semaphore_mem>>
      tpu.wait_indirect_dma semaphore(%dma_wait3A_697 : memref<!tpu.dma_semaphore, #tpu.memory_space<semaphore_mem>>) src(%dma_wait3A_689 : memref<128x64xf32, #tpu.memory_space<vmem>>) dst(%dma_wait3A_695 : memref<10000x64xf32, #tpu.memory_space<vmem_shared>>)
      %lt3A_698 = arith.constant 37 : i32
      %lt3A_699 = arith.cmpi slt, %scan3A_303, %lt3A_698 : i32
      %convert_element_type3A_700 = arith.extui %lt3A_699 : i1 to i32
      %cond3A_701 = arith.constant 0 : i32
      %cond3A_702 = arith.cmpi ne, %convert_element_type3A_700, %cond3A_701 : i32
      scf.if %cond3A_702 {
        %add3A_727 = arith.constant 8 : i32
        %add3A_728 = arith.addi %add3A_681, %add3A_727 : i32
        %add3A_729 = arith.constant 2 : i32
        %add3A_730 = arith.addi %mul3A_309, %add3A_729 : i32
        %mul3A_731 = arith.constant 128 : i32
        %mul3A_732 = arith.muli %add3A_728, %mul3A_731 : i32
        %add3A_733 = arith.addi %multiple_of3A, %mul3A_732 : i32
        %multiple_of3A_734 = tpu.assume_multiple %add3A_733, 8 : i32
        %dma_start3A_735 = arith.constant 0 : i32
        %dma_start3A_736 = arith.constant 0 : i32
        %dma_start3A_737 = tpu.memref_slice %arg5[%add3A_730, %dma_start3A_736] : memref<8x128xi32, #tpu.memory_space<vmem>> -> memref<1x128xi32, #tpu.memory_space<vmem>>
        %dma_start3A_738 = tpu.memref_squeeze %dma_start3A_737 : memref<1x128xi32, #tpu.memory_space<vmem>> -> memref<128xi32, #tpu.memory_space<vmem>>
        %dma_start3A_739 = tpu.memref_slice %arg3[%dma_start3A_735, %multiple_of3A_734] : memref<2x320000xi32, #tpu.memory_space<hbm>> -> memref<1x128xi32, #tpu.memory_space<hbm>>
        %dma_start3A_740 = tpu.memref_squeeze %dma_start3A_739 : memref<1x128xi32, #tpu.memory_space<hbm>> -> memref<128xi32, #tpu.memory_space<hbm>>
        %dma_start3A_741 = tpu.memref_slice %arg13[%add3A_730] : memref<8x!tpu.dma_semaphore, #tpu.memory_space<semaphore_mem>> -> memref<1x!tpu.dma_semaphore, #tpu.memory_space<semaphore_mem>>
        %dma_start3A_742 = tpu.memref_squeeze %dma_start3A_741 : memref<1x!tpu.dma_semaphore, #tpu.memory_space<semaphore_mem>> -> memref<!tpu.dma_semaphore, #tpu.memory_space<semaphore_mem>>
        %dma_start3A_743 = arith.constant 0 : i32
        %dma_start3A_744 = tpu.memref_slice %arg5[%add3A_730, %dma_start3A_743] : memref<8x128xi32, #tpu.memory_space<vmem>> -> memref<1x128xi32, #tpu.memory_space<vmem>>
        %dma_start3A_745 = tpu.memref_squeeze %dma_start3A_744 : memref<1x128xi32, #tpu.memory_space<vmem>> -> memref<128xi32, #tpu.memory_space<vmem>>
        %dma_start3A_746 = tpu.memref_slice %arg3[%dma_start3A_735, %multiple_of3A_734] : memref<2x320000xi32, #tpu.memory_space<hbm>> -> memref<1x128xi32, #tpu.memory_space<hbm>>
        %dma_start3A_747 = tpu.memref_squeeze %dma_start3A_746 : memref<1x128xi32, #tpu.memory_space<hbm>> -> memref<128xi32, #tpu.memory_space<hbm>>
        tpu.enqueue_dma source(%dma_start3A_747 : memref<128xi32, #tpu.memory_space<hbm>>) target(%dma_start3A_745 : memref<128xi32, #tpu.memory_space<vmem>>) target_semaphore(%dma_start3A_742 : memref<!tpu.dma_semaphore, #tpu.memory_space<semaphore_mem>>)
        %dma_start3A_748 = arith.constant 1 : i32
        %dma_start3A_749 = arith.constant 0 : i32
        %dma_start3A_750 = tpu.memref_slice %arg6[%add3A_730, %dma_start3A_749] : memref<8x128xi32, #tpu.memory_space<vmem>> -> memref<1x128xi32, #tpu.memory_space<vmem>>
        %dma_start3A_751 = tpu.memref_squeeze %dma_start3A_750 : memref<1x128xi32, #tpu.memory_space<vmem>> -> memref<128xi32, #tpu.memory_space<vmem>>
        %dma_start3A_752 = tpu.memref_slice %arg3[%dma_start3A_748, %multiple_of3A_734] : memref<2x320000xi32, #tpu.memory_space<hbm>> -> memref<1x128xi32, #tpu.memory_space<hbm>>
        %dma_start3A_753 = tpu.memref_squeeze %dma_start3A_752 : memref<1x128xi32, #tpu.memory_space<hbm>> -> memref<128xi32, #tpu.memory_space<hbm>>
        %dma_start3A_754 = tpu.memref_slice %arg13[%add3A_730] : memref<8x!tpu.dma_semaphore, #tpu.memory_space<semaphore_mem>> -> memref<1x!tpu.dma_semaphore, #tpu.memory_space<semaphore_mem>>
        %dma_start3A_755 = tpu.memref_squeeze %dma_start3A_754 : memref<1x!tpu.dma_semaphore, #tpu.memory_space<semaphore_mem>> -> memref<!tpu.dma_semaphore, #tpu.memory_space<semaphore_mem>>
        %dma_start3A_756 = arith.constant 0 : i32
        %dma_start3A_757 = tpu.memref_slice %arg6[%add3A_730, %dma_start3A_756] : memref<8x128xi32, #tpu.memory_space<vmem>> -> memref<1x128xi32, #tpu.memory_space<vmem>>
        %dma_start3A_758 = tpu.memref_squeeze %dma_start3A_757 : memref<1x128xi32, #tpu.memory_space<vmem>> -> memref<128xi32, #tpu.memory_space<vmem>>
        %dma_start3A_759 = tpu.memref_slice %arg3[%dma_start3A_748, %multiple_of3A_734] : memref<2x320000xi32, #tpu.memory_space<hbm>> -> memref<1x128xi32, #tpu.memory_space<hbm>>
        %dma_start3A_760 = tpu.memref_squeeze %dma_start3A_759 : memref<1x128xi32, #tpu.memory_space<hbm>> -> memref<128xi32, #tpu.memory_space<hbm>>
        tpu.enqueue_dma source(%dma_start3A_760 : memref<128xi32, #tpu.memory_space<hbm>>) target(%dma_start3A_758 : memref<128xi32, #tpu.memory_space<vmem>>) target_semaphore(%dma_start3A_755 : memref<!tpu.dma_semaphore, #tpu.memory_space<semaphore_mem>>)
      } else {
      }
      %add3A_703 = arith.constant 3 : i32
      %add3A_704 = arith.addi %mul3A_306, %add3A_703 : i32
      %add3A_705 = arith.constant 3 : i32
      %add3A_706 = arith.addi %mul3A_309, %add3A_705 : i32
      %dma_wait3A_707 = arith.constant 3 : i32
      %dma_wait3A_708 = arith.constant 3 : i32
      %dma_wait3A_709 = arith.constant 0 : i32
      %dma_wait3A_710 = arith.constant 0 : i32
      %dma_wait3A_711 = tpu.memref_slice %arg7[%dma_wait3A_707, %dma_wait3A_709, %dma_wait3A_710] : memref<4x128x64xf32, #tpu.memory_space<vmem>> -> memref<1x128x64xf32, #tpu.memory_space<vmem>>
      %dma_wait3A_712 = tpu.memref_squeeze %dma_wait3A_711 : memref<1x128x64xf32, #tpu.memory_space<vmem>> -> memref<128x64xf32, #tpu.memory_space<vmem>>
      %dma_wait3A_713 = arith.constant 0 : i32
      %dma_wait3A_714 = tpu.memref_slice %arg6[%add3A_706, %dma_wait3A_713] : memref<8x128xi32, #tpu.memory_space<vmem>> -> memref<1x128xi32, #tpu.memory_space<vmem>>
      %dma_wait3A_715 = tpu.memref_squeeze %dma_wait3A_714 : memref<1x128xi32, #tpu.memory_space<vmem>> -> memref<128xi32, #tpu.memory_space<vmem>>
      %dma_wait3A_716 = arith.constant 0 : i32
      %dma_wait3A_717 = arith.constant 0 : i32
      %dma_wait3A_718 = tpu.memref_slice %arg12[%dma_wait3A_716, %dma_wait3A_717] : memref<10000x64xf32, #tpu.memory_space<vmem_shared>> -> memref<10000x64xf32, #tpu.memory_space<vmem_shared>>
      %dma_wait3A_719 = tpu.memref_slice %arg15[%dma_wait3A_708] : memref<4x!tpu.dma_semaphore, #tpu.memory_space<semaphore_mem>> -> memref<1x!tpu.dma_semaphore, #tpu.memory_space<semaphore_mem>>
      %dma_wait3A_720 = tpu.memref_squeeze %dma_wait3A_719 : memref<1x!tpu.dma_semaphore, #tpu.memory_space<semaphore_mem>> -> memref<!tpu.dma_semaphore, #tpu.memory_space<semaphore_mem>>
      tpu.wait_indirect_dma semaphore(%dma_wait3A_720 : memref<!tpu.dma_semaphore, #tpu.memory_space<semaphore_mem>>) src(%dma_wait3A_712 : memref<128x64xf32, #tpu.memory_space<vmem>>) dst(%dma_wait3A_718 : memref<10000x64xf32, #tpu.memory_space<vmem_shared>>)
      %lt3A_721 = arith.constant 37 : i32
      %lt3A_722 = arith.cmpi slt, %scan3A_303, %lt3A_721 : i32
      %convert_element_type3A_723 = arith.extui %lt3A_722 : i1 to i32
      %cond3A_724 = arith.constant 0 : i32
      %cond3A_725 = arith.cmpi ne, %convert_element_type3A_723, %cond3A_724 : i32
      scf.if %cond3A_725 {
        %add3A_727 = arith.constant 8 : i32
        %add3A_728 = arith.addi %add3A_704, %add3A_727 : i32
        %add3A_729 = arith.constant 3 : i32
        %add3A_730 = arith.addi %mul3A_309, %add3A_729 : i32
        %mul3A_731 = arith.constant 128 : i32
        %mul3A_732 = arith.muli %add3A_728, %mul3A_731 : i32
        %add3A_733 = arith.addi %multiple_of3A, %mul3A_732 : i32
        %multiple_of3A_734 = tpu.assume_multiple %add3A_733, 8 : i32
        %dma_start3A_735 = arith.constant 0 : i32
        %dma_start3A_736 = arith.constant 0 : i32
        %dma_start3A_737 = tpu.memref_slice %arg5[%add3A_730, %dma_start3A_736] : memref<8x128xi32, #tpu.memory_space<vmem>> -> memref<1x128xi32, #tpu.memory_space<vmem>>
        %dma_start3A_738 = tpu.memref_squeeze %dma_start3A_737 : memref<1x128xi32, #tpu.memory_space<vmem>> -> memref<128xi32, #tpu.memory_space<vmem>>
        %dma_start3A_739 = tpu.memref_slice %arg3[%dma_start3A_735, %multiple_of3A_734] : memref<2x320000xi32, #tpu.memory_space<hbm>> -> memref<1x128xi32, #tpu.memory_space<hbm>>
        %dma_start3A_740 = tpu.memref_squeeze %dma_start3A_739 : memref<1x128xi32, #tpu.memory_space<hbm>> -> memref<128xi32, #tpu.memory_space<hbm>>
        %dma_start3A_741 = tpu.memref_slice %arg13[%add3A_730] : memref<8x!tpu.dma_semaphore, #tpu.memory_space<semaphore_mem>> -> memref<1x!tpu.dma_semaphore, #tpu.memory_space<semaphore_mem>>
        %dma_start3A_742 = tpu.memref_squeeze %dma_start3A_741 : memref<1x!tpu.dma_semaphore, #tpu.memory_space<semaphore_mem>> -> memref<!tpu.dma_semaphore, #tpu.memory_space<semaphore_mem>>
        %dma_start3A_743 = arith.constant 0 : i32
        %dma_start3A_744 = tpu.memref_slice %arg5[%add3A_730, %dma_start3A_743] : memref<8x128xi32, #tpu.memory_space<vmem>> -> memref<1x128xi32, #tpu.memory_space<vmem>>
        %dma_start3A_745 = tpu.memref_squeeze %dma_start3A_744 : memref<1x128xi32, #tpu.memory_space<vmem>> -> memref<128xi32, #tpu.memory_space<vmem>>
        %dma_start3A_746 = tpu.memref_slice %arg3[%dma_start3A_735, %multiple_of3A_734] : memref<2x320000xi32, #tpu.memory_space<hbm>> -> memref<1x128xi32, #tpu.memory_space<hbm>>
        %dma_start3A_747 = tpu.memref_squeeze %dma_start3A_746 : memref<1x128xi32, #tpu.memory_space<hbm>> -> memref<128xi32, #tpu.memory_space<hbm>>
        tpu.enqueue_dma source(%dma_start3A_747 : memref<128xi32, #tpu.memory_space<hbm>>) target(%dma_start3A_745 : memref<128xi32, #tpu.memory_space<vmem>>) target_semaphore(%dma_start3A_742 : memref<!tpu.dma_semaphore, #tpu.memory_space<semaphore_mem>>)
        %dma_start3A_748 = arith.constant 1 : i32
        %dma_start3A_749 = arith.constant 0 : i32
        %dma_start3A_750 = tpu.memref_slice %arg6[%add3A_730, %dma_start3A_749] : memref<8x128xi32, #tpu.memory_space<vmem>> -> memref<1x128xi32, #tpu.memory_space<vmem>>
        %dma_start3A_751 = tpu.memref_squeeze %dma_start3A_750 : memref<1x128xi32, #tpu.memory_space<vmem>> -> memref<128xi32, #tpu.memory_space<vmem>>
        %dma_start3A_752 = tpu.memref_slice %arg3[%dma_start3A_748, %multiple_of3A_734] : memref<2x320000xi32, #tpu.memory_space<hbm>> -> memref<1x128xi32, #tpu.memory_space<hbm>>
        %dma_start3A_753 = tpu.memref_squeeze %dma_start3A_752 : memref<1x128xi32, #tpu.memory_space<hbm>> -> memref<128xi32, #tpu.memory_space<hbm>>
        %dma_start3A_754 = tpu.memref_slice %arg13[%add3A_730] : memref<8x!tpu.dma_semaphore, #tpu.memory_space<semaphore_mem>> -> memref<1x!tpu.dma_semaphore, #tpu.memory_space<semaphore_mem>>
        %dma_start3A_755 = tpu.memref_squeeze %dma_start3A_754 : memref<1x!tpu.dma_semaphore, #tpu.memory_space<semaphore_mem>> -> memref<!tpu.dma_semaphore, #tpu.memory_space<semaphore_mem>>
        %dma_start3A_756 = arith.constant 0 : i32
        %dma_start3A_757 = tpu.memref_slice %arg6[%add3A_730, %dma_start3A_756] : memref<8x128xi32, #tpu.memory_space<vmem>> -> memref<1x128xi32, #tpu.memory_space<vmem>>
        %dma_start3A_758 = tpu.memref_squeeze %dma_start3A_757 : memref<1x128xi32, #tpu.memory_space<vmem>> -> memref<128xi32, #tpu.memory_space<vmem>>
        %dma_start3A_759 = tpu.memref_slice %arg3[%dma_start3A_748, %multiple_of3A_734] : memref<2x320000xi32, #tpu.memory_space<hbm>> -> memref<1x128xi32, #tpu.memory_space<hbm>>
        %dma_start3A_760 = tpu.memref_squeeze %dma_start3A_759 : memref<1x128xi32, #tpu.memory_space<hbm>> -> memref<128xi32, #tpu.memory_space<hbm>>
        tpu.enqueue_dma source(%dma_start3A_760 : memref<128xi32, #tpu.memory_space<hbm>>) target(%dma_start3A_758 : memref<128xi32, #tpu.memory_space<vmem>>) target_semaphore(%dma_start3A_755 : memref<!tpu.dma_semaphore, #tpu.memory_space<semaphore_mem>>)
      } else {
      }
      %scan3A_726 = arith.constant 0 : i32
      scf.yield %scan3A_726 : i32
    }
    %scan3A_294 = arith.constant 39 : i32
    %add3A_295 = arith.constant 19968 : i32
    %add3A_296 = arith.addi %multiple_of3A, %add3A_295 : i32
    %multiple_of3A_297 = tpu.assume_multiple %add3A_296, 8 : i32
    %run_scoped3A_298 = arith.constant 0 : i32
    "tpu.region"() ({
      %run_scoped3A_303 = tpu.sem_alloc : memref<!tpu.dma_semaphore, #tpu.memory_space<semaphore_mem>>
      %dma_start3A_304 = tpu.memref_slice %arg3[%run_scoped3A_298, %multiple_of3A_297] : memref<2x320000xi32, #tpu.memory_space<hbm>> -> memref<1x32xi32, #tpu.memory_space<hbm>>
      %dma_start3A_305 = tpu.memref_squeeze %dma_start3A_304 : memref<1x32xi32, #tpu.memory_space<hbm>> -> memref<32xi32, #tpu.memory_space<hbm>>
      %dma_start3A_306 = tpu.memref_slice %arg3[%run_scoped3A_298, %multiple_of3A_297] : memref<2x320000xi32, #tpu.memory_space<hbm>> -> memref<1x32xi32, #tpu.memory_space<hbm>>
      %dma_start3A_307 = tpu.memref_squeeze %dma_start3A_306 : memref<1x32xi32, #tpu.memory_space<hbm>> -> memref<32xi32, #tpu.memory_space<hbm>>
      tpu.enqueue_dma source(%dma_start3A_307 : memref<32xi32, #tpu.memory_space<hbm>>) target(%arg8 : memref<32xi32, #tpu.memory_space<vmem>>) target_semaphore(%run_scoped3A_303 : memref<!tpu.dma_semaphore, #tpu.memory_space<semaphore_mem>>)
      %dma_wait3A = tpu.memref_slice %arg3[%run_scoped3A_298, %multiple_of3A_297] : memref<2x320000xi32, #tpu.memory_space<hbm>> -> memref<1x32xi32, #tpu.memory_space<hbm>>
      %dma_wait3A_308 = tpu.memref_squeeze %dma_wait3A : memref<1x32xi32, #tpu.memory_space<hbm>> -> memref<32xi32, #tpu.memory_space<hbm>>
      %dma_wait3A_309 = tpu.memref_slice %arg3[%run_scoped3A_298, %multiple_of3A_297] : memref<2x320000xi32, #tpu.memory_space<hbm>> -> memref<1x32xi32, #tpu.memory_space<hbm>>
      %dma_wait3A_310 = tpu.memref_squeeze %dma_wait3A_309 : memref<1x32xi32, #tpu.memory_space<hbm>> -> memref<32xi32, #tpu.memory_space<hbm>>
      tpu.wait_dma2 semaphore(%run_scoped3A_303 : memref<!tpu.dma_semaphore, #tpu.memory_space<semaphore_mem>>) src(%dma_wait3A_310 : memref<32xi32, #tpu.memory_space<hbm>>) dst(%arg8 : memref<32xi32, #tpu.memory_space<vmem>>)
      tpu.yield
    }) : () -> ()
    %run_scoped3A_299 = arith.constant 1 : i32
    "tpu.region"() ({
      %run_scoped3A_303 = tpu.sem_alloc : memref<!tpu.dma_semaphore, #tpu.memory_space<semaphore_mem>>
      %dma_start3A_304 = tpu.memref_slice %arg3[%run_scoped3A_299, %multiple_of3A_297] : memref<2x320000xi32, #tpu.memory_space<hbm>> -> memref<1x32xi32, #tpu.memory_space<hbm>>
      %dma_start3A_305 = tpu.memref_squeeze %dma_start3A_304 : memref<1x32xi32, #tpu.memory_space<hbm>> -> memref<32xi32, #tpu.memory_space<hbm>>
      %dma_start3A_306 = tpu.memref_slice %arg3[%run_scoped3A_299, %multiple_of3A_297] : memref<2x320000xi32, #tpu.memory_space<hbm>> -> memref<1x32xi32, #tpu.memory_space<hbm>>
      %dma_start3A_307 = tpu.memref_squeeze %dma_start3A_306 : memref<1x32xi32, #tpu.memory_space<hbm>> -> memref<32xi32, #tpu.memory_space<hbm>>
      tpu.enqueue_dma source(%dma_start3A_307 : memref<32xi32, #tpu.memory_space<hbm>>) target(%arg9 : memref<32xi32, #tpu.memory_space<vmem>>) target_semaphore(%run_scoped3A_303 : memref<!tpu.dma_semaphore, #tpu.memory_space<semaphore_mem>>)
      %dma_wait3A = tpu.memref_slice %arg3[%run_scoped3A_299, %multiple_of3A_297] : memref<2x320000xi32, #tpu.memory_space<hbm>> -> memref<1x32xi32, #tpu.memory_space<hbm>>
      %dma_wait3A_308 = tpu.memref_squeeze %dma_wait3A : memref<1x32xi32, #tpu.memory_space<hbm>> -> memref<32xi32, #tpu.memory_space<hbm>>
      %dma_wait3A_309 = tpu.memref_slice %arg3[%run_scoped3A_299, %multiple_of3A_297] : memref<2x320000xi32, #tpu.memory_space<hbm>> -> memref<1x32xi32, #tpu.memory_space<hbm>>
      %dma_wait3A_310 = tpu.memref_squeeze %dma_wait3A_309 : memref<1x32xi32, #tpu.memory_space<hbm>> -> memref<32xi32, #tpu.memory_space<hbm>>
      tpu.wait_dma2 semaphore(%run_scoped3A_303 : memref<!tpu.dma_semaphore, #tpu.memory_space<semaphore_mem>>) src(%dma_wait3A_310 : memref<32xi32, #tpu.memory_space<hbm>>) dst(%arg9 : memref<32xi32, #tpu.memory_space<vmem>>)
      tpu.yield
    }) : () -> ()
    "tpu.region"() ({
      %run_scoped3A_303 = tpu.sem_alloc : memref<!tpu.dma_semaphore, #tpu.memory_space<semaphore_mem>>
      %dma_start3A_304 = arith.constant 0 : i32
      %dma_start3A_305 = arith.constant 0 : i32
      %dma_start3A_306 = tpu.memref_slice %arg11[%dma_start3A_304, %dma_start3A_305] : memref<10000x64xf32, #tpu.memory_space<vmem_shared>> -> memref<10000x64xf32, #tpu.memory_space<vmem_shared>>
      tpu.enqueue_indirect_dma source(%dma_start3A_306 : memref<10000x64xf32, #tpu.memory_space<vmem_shared>>) target(%arg10 : memref<32x64xf32, #tpu.memory_space<vmem>>) offsets(%arg8 : memref<32xi32, #tpu.memory_space<vmem>>) semaphore(%run_scoped3A_303 : memref<!tpu.dma_semaphore, #tpu.memory_space<semaphore_mem>>)
      %dma_wait3A = arith.constant 0 : i32
      %dma_wait3A_307 = arith.constant 0 : i32
      %dma_wait3A_308 = tpu.memref_slice %arg11[%dma_wait3A, %dma_wait3A_307] : memref<10000x64xf32, #tpu.memory_space<vmem_shared>> -> memref<10000x64xf32, #tpu.memory_space<vmem_shared>>
      tpu.wait_indirect_dma semaphore(%run_scoped3A_303 : memref<!tpu.dma_semaphore, #tpu.memory_space<semaphore_mem>>) src(%dma_wait3A_308 : memref<10000x64xf32, #tpu.memory_space<vmem_shared>>) dst(%arg10 : memref<32x64xf32, #tpu.memory_space<vmem>>)
      tpu.yield
    }) : () -> ()
    "tpu.region"() ({
      %run_scoped3A_303 = tpu.sem_alloc : memref<!tpu.dma_semaphore, #tpu.memory_space<semaphore_mem>>
      %dma_start3A_304 = arith.constant 0 : i32
      %dma_start3A_305 = arith.constant 0 : i32
      %dma_start3A_306 = tpu.memref_slice %arg12[%dma_start3A_304, %dma_start3A_305] : memref<10000x64xf32, #tpu.memory_space<vmem_shared>> -> memref<10000x64xf32, #tpu.memory_space<vmem_shared>>
      tpu.enqueue_indirect_dma source(%arg10 : memref<32x64xf32, #tpu.memory_space<vmem>>) target(%dma_start3A_306 : memref<10000x64xf32, #tpu.memory_space<vmem_shared>>) offsets(%arg9 : memref<32xi32, #tpu.memory_space<vmem>>) semaphore(%run_scoped3A_303 : memref<!tpu.dma_semaphore, #tpu.memory_space<semaphore_mem>>) {add = true}
      %dma_wait3A = arith.constant 0 : i32
      %dma_wait3A_307 = arith.constant 0 : i32
      %dma_wait3A_308 = tpu.memref_slice %arg12[%dma_wait3A, %dma_wait3A_307] : memref<10000x64xf32, #tpu.memory_space<vmem_shared>> -> memref<10000x64xf32, #tpu.memory_space<vmem_shared>>
      tpu.wait_indirect_dma semaphore(%run_scoped3A_303 : memref<!tpu.dma_semaphore, #tpu.memory_space<semaphore_mem>>) src(%arg10 : memref<32x64xf32, #tpu.memory_space<vmem>>) dst(%dma_wait3A_308 : memref<10000x64xf32, #tpu.memory_space<vmem_shared>>)
      tpu.yield
    }) : () -> ()
    %barrier3A_300 = arith.constant 0 : index
    tpu.barrier barrier_id(%barrier3A_300)
    %mul3A_301 = arith.constant 64 : i32
    %mul3A_302 = arith.muli %arg0, %mul3A_301 : i32
    "tpu.region"() ({
      %run_scoped3A_303 = tpu.sem_alloc : memref<!tpu.dma_semaphore, #tpu.memory_space<semaphore_mem>>
      %dma_start3A_304 = tpu.memref_slice %arg4[%mul3A_270, %mul3A_302] : memref<10000x128xf32, #tpu.memory_space<hbm>> -> memref<625x64xf32, #tpu.memory_space<hbm>>
      %dma_start3A_305 = arith.constant 0 : i32
      %dma_start3A_306 = tpu.memref_slice %arg12[%mul3A_270, %dma_start3A_305] : memref<10000x64xf32, #tpu.memory_space<vmem_shared>> -> memref<625x64xf32, #tpu.memory_space<vmem_shared>>
      tpu.enqueue_dma source(%dma_start3A_306 : memref<625x64xf32, #tpu.memory_space<vmem_shared>>) target(%dma_start3A_304 : memref<625x64xf32, #tpu.memory_space<hbm>>) target_semaphore(%run_scoped3A_303 : memref<!tpu.dma_semaphore, #tpu.memory_space<semaphore_mem>>)
      %dma_wait3A = tpu.memref_slice %arg4[%mul3A_270, %mul3A_302] : memref<10000x128xf32, #tpu.memory_space<hbm>> -> memref<625x64xf32, #tpu.memory_space<hbm>>
      %dma_wait3A_307 = arith.constant 0 : i32
      %dma_wait3A_308 = tpu.memref_slice %arg12[%mul3A_270, %dma_wait3A_307] : memref<10000x64xf32, #tpu.memory_space<vmem_shared>> -> memref<625x64xf32, #tpu.memory_space<vmem_shared>>
      tpu.wait_dma2 semaphore(%run_scoped3A_303 : memref<!tpu.dma_semaphore, #tpu.memory_space<semaphore_mem>>) src(%dma_wait3A_308 : memref<625x64xf32, #tpu.memory_space<vmem_shared>>) dst(%dma_wait3A : memref<625x64xf32, #tpu.memory_space<hbm>>)
      tpu.yield
    }) : () -> ()
    return
  }
}

module attributes {stable_mosaic.version = 14 : i64} {
  func.func @_mm_body(%arg0: i32, %arg1: i32, %arg2: memref<1000x128xf32, #tpu.memory_space<vmem>>, %arg3: memref<64x128xf32, #tpu.memory_space<vmem>>, %arg4: memref<1x1x64xf32, #tpu.memory_space<vmem>>, %arg5: memref<1000x64xf32, #tpu.memory_space<vmem>>) attributes {dimension_semantics = [#tpu.dimension_semantics<arbitrary>, #tpu.dimension_semantics<arbitrary>], iteration_bounds = array<i64: 2, 10>, scalar_prefetch = 0 : i64, scratch_operands = 0 : i64, tpu.core_type = #tpu.core_type<tc>, window_params = [{transform_indices = @transform_0, window_bounds = array<i64: 1000, 128>}, {transform_indices = @transform_1, window_bounds = array<i64: 64, 128>}, {transform_indices = @transform_2, window_bounds = array<i64: 1, 1, 64>}, {transform_indices = @transform_3, window_bounds = array<i64: 1000, 64>}]} {
    %get3A = arith.constant 0 : index
    %get3A_0 = arith.constant 0 : index
    %get3A_1 = vector.load %arg2[%get3A, %get3A_0] : memref<1000x128xf32, #tpu.memory_space<vmem>>, vector<1000x128xf32>
    %get3A_2 = arith.constant 0 : index
    %get3A_3 = arith.constant 0 : index
    %get3A_4 = vector.load %arg3[%get3A_2, %get3A_3] : memref<64x128xf32, #tpu.memory_space<vmem>>, vector<64x128xf32>
    %dot_general3A = arith.constant dense<0.000000e+00> : vector<1000x64xf32>
    %dot_general3A_5 = tpu.matmul %get3A_1, %get3A_4, %dot_general3A {dimension_numbers = #tpu.dot_dimension_numbers<[1], [1], [0], [0], [0, 0, 1, 0], [], []>, transpose_lhs_hint = false} : vector<1000x128xf32>, vector<64x128xf32>, vector<1000x64xf32> -> vector<1000x64xf32>
    %get3A_6 = arith.constant 0 : index
    %get3A_7 = arith.constant 0 : index
    %get3A_8 = arith.constant 0 : index
    %get3A_9 = vector.load %arg4[%get3A_6, %get3A_7, %get3A_8] : memref<1x1x64xf32, #tpu.memory_space<vmem>>, vector<1x1x64xf32>
    %get3A_10 = vector.shape_cast %get3A_9 : vector<1x1x64xf32> to vector<1x64xf32>
    %add3A = vector.broadcast %get3A_10 : vector<1x64xf32> to vector<1000x64xf32>
    %add3A_11 = arith.addf %dot_general3A_5, %add3A : vector<1000x64xf32>
    %swap3A = arith.constant 0 : index
    %swap3A_12 = arith.constant 0 : index
    %swap3A_13 = vector.load %arg5[%swap3A, %swap3A_12] : memref<1000x64xf32, #tpu.memory_space<vmem>>, vector<1000x64xf32>
    tpu.vector_store %arg5[%swap3A, %swap3A_12], %add3A_11 {strides = array<i32>} : memref<1000x64xf32, #tpu.memory_space<vmem>>, vector<1000x64xf32>,
    return
  }
  func.func @transform_0(%arg0: i32, %arg1: i32) -> (i32, i32) {
    %c0_i32 = arith.constant 0 : i32
    %c0_i32_0 = arith.constant 0 : i32
    return %arg1, %c0_i32 : i32, i32
  }
  func.func @transform_1(%arg0: i32, %arg1: i32) -> (i32, i32) {
    %c0_i32 = arith.constant 0 : i32
    %c0_i32_0 = arith.constant 0 : i32
    return %arg0, %c0_i32 : i32, i32
  }
  func.func @transform_2(%arg0: i32, %arg1: i32) -> (i32, i32, i32) {
    %c0_i32 = arith.constant 0 : i32
    %c0_i32_0 = arith.constant 0 : i32
    %c0_i32_1 = arith.constant 0 : i32
    return %arg0, %c0_i32, %c0_i32_0 : i32, i32, i32
  }
  func.func @transform_3(%arg0: i32, %arg1: i32) -> (i32, i32) {
    %mul3A = arith.constant 10 : i32
    %mul3A_0 = arith.muli %arg0, %mul3A : i32
    %add3A = arith.addi %mul3A_0, %arg1 : i32
    %c0_i32 = arith.constant 0 : i32
    %c0_i32_1 = arith.constant 0 : i32
    return %add3A, %c0_i32 : i32, i32
  }
}

</mosaic_0001>

<sc_bundles>
// kernel: kernel.4.cloned.1.call-start
scs
__scs_entry_jumppad:
0x0: {  	(pc) =	sbr.rel $0x88, $3  }
0x1: {  	(tag) =	ssettag $0x0;
	lr =	simm.s32 $0x1  }
0x2: {  	[smem:$0x3F9D] =	sst lr;
	_ =	strace $0xD0000000  }
0x3: {  	_ = 	snop  }
0x4: {  	_ = 	snop  }
0x5: {  	_ = 	snop  }
0x6: {  	_ = 	snop  }
0x7: {  	_ = 	snop  }
__scs_overlays_trampoline_lowered:
0x8: {  	[smem:$0x3FAC] =	sst s0  }
0x9: {  	[smem:$0x3FAD] =	sst s1  }
0xa: {  	[smem:$0x3FAE] =	sst s2  }
0xb: {  	[smem:$0x3FAF] =	sst s3  }
0xc: {  	[smem:$0x3FB0] =	sst s4  }
0xd: {  	[smem:$0x3FB1] =	sst s5  }
0xe: {  	[smem:$0x3FB2] =	sst s6  }
0xf: {  	[smem:$0x3FB3] =	sst s7  }
0x10: {  	[smem:$0x3FB4] =	sst s8  }
0x11: {  	[smem:$0x3FB5] =	sst s9;
	s0 =	simm.s32 @!p0 $0x0  }
0x12: {  	s1 =	sld [smem:$0x3F9B];
	s0 =	simm.s32 @p0 $0x1  }
0x13: {  	[smem:$0x3FB6] =	sst s0;
	s0 =	simm.s32 @!p1 $0x0  }
0x14: {  	s2 =	sld [smem:$0x3F9A];
	s0 =	simm.s32 @p1 $0x1  }
0x15: {  	[smem:$0x3FB7] =	sst s0;
	s0 =	simm.s32 @!p2 $0x0  }
0x16: {  	s3 =	sld [smem:$0x3FDB];
	s0 =	simm.s32 @p2 $0x1  }
0x17: {  	s4 =	simm.s32 $0x1BF5;
	[smem:$0x3FB9] =	sst s0  }
0x18: {  	s0 =	sld [smem:$0x3F9C];
	_ =	swait.ge [sflag:s4], $0x0  }
0x19: {  	s7 =	sld [smem:$0x3F9D]  }
0x1a: {  	s8 =	sadd.s32 $0xFFFFE003, lr  }
0x1b: {  	s9 =	sadd.s32 $0xFFFFFEF7, lr;
	s5 =	simm.s32 $0xFFFFFFFF;
	p2 =	slt.u32 s8, $0xFFFFF086  }
0x1c: {  	p1 =	slt.u32 s9, $0xF7A;
	s5 =	simm.s32 @!p2 $0x0  }
0x1d: {  	s5 =	simm.s32 @p1 $0x1;
	p0 =	seq.s32 s7, s2  }
0x1e: {  	s7 =	smul.u32 @!p0 $0xF7A, s2;
	p2 =	seq.s32 @!p0 s5, $0x0  }
0x1f: {  	s9 =	smul.u32 $0xF7A, s1;
	s8 =	simm.s32 @!p0 $0x1BF5;
	p2 =	por !p2, p0  }
0x20: {  	[sflag:s8] =	ssyncset.s32 @!p0 $0xFFFFF086;
	s6 =	sadd.s32 @!p0 s3, s7;
	s7 =	simm.s32 @!p0 $0x108  }
0x21: {  	s3 =	sadd.s32 s3, s9;
	s6 =	sadd.s32 @!p0 $0x88, s6;
	s7 =	simm.s32 @p2 $0x1082  }
0x22: {  	[simem:s7], [sflag:s8] =	dma.local @!p0 [hbm:s6], $0xF7A  }
0x23: {  	s9 =	sor.u32 $0xD0000000, s2;
	s6 =	simm.s32 $0x108;
	_ =	swait.ge @!p0 [sflag:s8], $0x0  }
0x24: {  	s3 =	sadd.s32 $0x88, s3;
	s6 =	simm.s32 @!p1 $0x1082;
	[sflag:s4] =	ssyncset.s32 $0xFFFFF086  }
0x25: {  	[simem:s6], [sflag:s4] =	dma.local [hbm:s3], $0xF7A  }
0x26: {  	[smem:$0x3F9D] =	sst s1;
	(tag) =	ssettag s2;
	_ =	strace s9  }
0x27: {  	s1 =	sld [smem:$0x3FAD]  }
0x28: {  	s2 =	sld [smem:$0x3FAE]  }
0x29: {  	s4 =	sld [smem:$0x3FB0]  }
0x2a: {  	p0 =	seq.s32 s5, $0x0;
	s5 =	sld [smem:$0x3FB1]  }
0x2b: {  	s6 =	sld [smem:$0x3FB2]  }
0x2c: {  	s7 =	sld [smem:$0x3FB3]  }
0x2d: {  	s3 =	simm.s32 $0x108;
	s8 =	sld [smem:$0x3FB4]  }
0x2e: {  	s3 =	simm.s32 @!p0 $0x1082;
	s9 =	sld [smem:$0x3FB5]  }
0x2f: {  	lr =	sadd.s32 s0, s3;
	s0 =	sld [smem:$0x3FAC]  }
0x30: {  	s3 =	sld [smem:$0x3FAF]  }
0x31: {  	[smem:$0x3FB8] =	sst s10  }
0x32: {  	s10 =	sld [smem:$0x3FB6];
	_ =	sdelay $0x3  }
0x33: {  	p0 =	seq.s32 s10, $0x1;
	s10 =	sld [smem:$0x3FB8];
	_ =	sdelay $0x3  }
0x34: {  	[smem:$0x3FB8] =	sst s10  }
0x35: {  	s10 =	sld [smem:$0x3FB7];
	_ =	sdelay $0x3  }
0x36: {  	p1 =	seq.s32 s10, $0x1;
	s10 =	sld [smem:$0x3FB8];
	_ =	sdelay $0x3  }
0x37: {  	[smem:$0x3FB8] =	sst s10  }
0x38: {  	s10 =	sld [smem:$0x3FB9]  }
0x39: {  	_ = 	snop;
	(pc) =	sbr.ind lr, $3  }
0x3a: {  	_ = 	snop  }
0x3b: {  	_ = 	snop  }
0x3c: {  	p2 =	seq.s32 s10, $0x1;
	s10 =	sld [smem:$0x3FB8]  }
0x3d: {  	_ =	shalt  }
0x3e: {  	_ =	shalt  }
0x3f: {  	_ =	shalt  }
0x40: {  	_ =	shalt  }
0x41: {  	_ =	shalt  }
0x42: {  	_ =	shalt  }
0x43: {  	_ =	shalt  }
0x44: {  	_ =	shalt  }
0x45: {  	_ =	shalt  }
0x46: {  	_ =	shalt  }
0x47: {  	_ =	shalt  }
0x48: {  	_ =	shalt  }
0x49: {  	_ =	shalt  }
0x4a: {  	_ =	shalt  }
0x4b: {  	_ =	shalt  }
0x4c: {  	_ =	shalt  }
0x4d: {  	_ =	shalt  }
0x4e: {  	_ =	shalt  }
0x4f: {  	_ =	shalt  }
0x50: {  	_ =	shalt  }
0x51: {  	_ =	shalt  }
0x52: {  	_ =	shalt  }
0x53: {  	_ =	shalt  }
0x54: {  	_ =	shalt  }
0x55: {  	_ =	shalt  }
0x56: {  	_ =	shalt  }
0x57: {  	_ =	shalt  }
0x58: {  	_ =	shalt  }
0x59: {  	_ =	shalt  }
0x5a: {  	_ =	shalt  }
0x5b: {  	_ =	shalt  }
0x5c: {  	_ =	shalt  }
0x5d: {  	_ =	shalt  }
0x5e: {  	_ =	shalt  }
0x5f: {  	_ =	shalt  }
0x60: {  	_ =	shalt  }
0x61: {  	_ =	shalt  }
0x62: {  	_ =	shalt  }
0x63: {  	_ =	shalt  }
0x64: {  	_ =	shalt  }
0x65: {  	_ =	shalt  }
0x66: {  	_ =	shalt  }
0x67: {  	_ =	shalt  }
0x68: {  	_ =	shalt  }
0x69: {  	_ =	shalt  }
0x6a: {  	_ =	shalt  }
0x6b: {  	_ =	shalt  }
0x6c: {  	_ =	shalt  }
0x6d: {  	_ =	shalt  }
0x6e: {  	_ =	shalt  }
0x6f: {  	_ =	shalt  }
0x70: {  	_ =	shalt  }
0x71: {  	_ =	shalt  }
0x72: {  	_ =	shalt  }
0x73: {  	_ =	shalt  }
0x74: {  	_ =	shalt  }
0x75: {  	_ =	shalt  }
0x76: {  	_ =	shalt  }
0x77: {  	_ =	shalt  }
0x78: {  	_ =	shalt  }
0x79: {  	_ =	shalt  }
0x7a: {  	_ =	shalt  }
0x7b: {  	_ =	shalt  }
0x7c: {  	_ =	shalt  }
0x7d: {  	_ =	shalt  }
0x7e: {  	_ =	shalt  }
0x7f: {  	_ =	shalt  }
0x80: {  	_ =	shalt  }
0x81: {  	_ =	shalt  }
0x82: {  	_ =	shalt  }
0x83: {  	_ =	shalt  }
0x84: {  	_ =	shalt  }
0x85: {  	_ =	shalt  }
0x86: {  	_ =	shalt  }
0x87: {  	_ =	shalt  }
.Lfunc_end0:
.L_simem_size_0:
called_computation_lowered:
.L_overlay_start_0:
0x88: {  	s2 =	sld [smem:$0x3FD9]  }
0x89: {  	s3 =	sld [smem:$0x3FFE];
	_ =	sdelay $0x1  }
0x8a: {  	s1 =	srdreg.scid  }
0x8b: {  	s0 =	sand.u32 $0x1, s1  }
0x8c: {  	s17 =	sshll.u32 s0, $0xA;
	s2 =	sadd.s32 s3, s2  }
0x8d: {  	s2 =	sadd.s32 s2, s17  }
0x8e: {  	[smem:$0x3FC4] =	sst s2  }
0x8f: {  	_ = 	snop  }
0x90: {  	s2 =	sld [smem:$0x3FD0];
	(tm) =	ssettm $0x1  }
0x91: {  	s18 =	sld [smem:$0x3FFB];
	_ =	sdelay $0x3  }
0x92: {  	_ =	strace s18  }
0x93: {  	s3 =	sld [smem:$0x3FFC];
	_ =	sdelay $0x3  }
0x94: {  	_ =	strace s3  }
0x95: {  	s3 =	sld [smem:$0x3FFD];
	_ =	sdelay $0x3  }
0x96: {  	_ =	strace s3  }
0x97: {  	_ =	strace $0x8FFFFFFF  }
0x98: {  	s19 =	sld [smem:$0x3FDB];
	_ =	sdelay $0x1  }
0x99: {  	s4 =	simm.s32 $_scs_section_size  }
0x9a: {  	s5 =	simm.s32 $_size__tile_overlayer_lowered;
	s6 =	simm.s32 $_tile_overlayer_lowered  }
0x9b: {  	s22 =	simm.s32 $0x1BFF;
	s21 =	sshll.u32 s6, $0x1;
	s3 =	sadd.s32 s4, s19  }
0x9c: {  	s7 =	simm.s32 $0x0;
	s20 =	sshll.u32 s5, $0x1;
	s5 =	sadd.s32 s21, s3  }
0x9d: {  	[timem:s7], [sflag:s22] =	dma.local [hbm:s5], s20  }
0x9e: {  	_ =	swait.ge [sflag:s22], s20  }
0x9f: {  	s4 =	ssub.s32 $0x0, s20;
	[sflag:s22] =	ssyncset.done $0x0  }
0xa0: {  	[sflag:s22] =	ssyncadd.s32 s4;
	_ =	sdelay $0x1  }
0xa1: {  	s23 =	simm.s32 $0x1B8B  }
0xa2: {  	_ =	swait.ge [sflag:s23], $0x1  }
0xa3: {  	[sflag:s23] =	ssyncset.done $0x0  }
0xa4: {  	s25 =	simm.s32 $0x1B8E;
	s24 =	sld [smem:$0x3FFE];
	[sflag:s23] =	ssyncadd.s32 $0xFFFFFFFF  }
0xa5: {  	s26 =	simm.s32 $execute0_lowered;
	[smem:$0x3FD2] =	sst s25  }
0xa6: {  	s5 =	sshll.u32 s26, $0x1;
	_ =	strace $0x80000046;
	[dreg:$0x1] =	wrdreg $0xFFFFFFFF  }
0xa7: {  	s28 =	simm.s32 $_size_execute0_lowered;
	s3 =	sadd.s32 s3, s5;
	[dreg:$0x0] =	wrdreg $0x0  }
0xa8: {  	s5 =	sshll.u32 s28, $0x1;
	[dreg:$0x2] =	wrdreg s3  }
0xa9: {  	[dreg:$0x3] =	wrdreg s5  }
0xaa: {  	[dreg:$0x4] =	wrdreg $0xC0  }
0xab: {  	_ =	task [dreg:s7], $0x5FFFF  }
0xac: {  	[dreg:$0x1] =	wrdreg $0xFFFFFFFF  }
0xad: {  	[dreg:$0x0] =	wrdreg $0x60  }
0xae: {  	[dreg:$0x2] =	wrdreg s24  }
0xaf: {  	[dreg:$0x3] =	wrdreg s2  }
0xb0: {  	[dreg:$0x4] =	wrdreg $0x12C800  }
0xb1: {  	[dreg:$0x5] =	wrdreg $0x90400  }
0xb2: {  	[dreg:$0x6] =	wrdreg $0x9  }
0xb3: {  	_ =	task.clear_ibuf [dreg:s7], $0x7FFFF;
	_ =	strace $0x90000046  }
0xb4: {  	s29 =	simm.s32 $0x9;
	_ =	strace $0x80000048  }
0xb5: {  	_ =	swait.ge [sflag:s29], $0x1  }
0xb6: {  	[sflag:s29] =	ssyncadd.s32 $0xFFFFFFFF  }
0xb7: {  	_ =	strace $0x90000048  }
0xb8: {  	_ =	sfence  }
0xb9: {  	s30 =	sld [smem:$0x0];
	_ =	sdelay $0x2  }
0xba: {  	s31 =	sshll.u32 s1, $0xD;
	s1 =	sshrl.u32 s1, $0x2  }
0xbb: {  	s3 =	sand.u32 $0x4000, s31;
	s1 =	sadd.s32 s1, s30  }
0xbc: {  	s0 =	sor.u32 s3, s0;
	s1 =	sshll.u32 s1, $0x11  }
0xbd: {  	s0 =	sor.u32 s1, s0  }
0xbe: {  	s0 =	sadd.s32 $0x8F2B, s0  }
0xbf: {  	[sflag:s0] =	ssyncadd.remote.s32 $0x1  }
0xc0: {  	_ =	sfence.sel $0xFFFF  }
0xc1: {  	[dreg:$0x0] =	wrdreg $0xFFFFFFFF;
	(pc) =	sbr.abs _section_cstart, $3  }
0xc2: {  	[dreg:$0x1] =	wrdreg $0xFFFFFFFF  }
0xc3: {  	_ =	task.clear_ibuf [dreg:s7], $0x2FFFF;
	_ =	strace $0x9FFFFFFF  }
0xc4: {  	(tm) =	ssettm $0x7FFFFFFF  }
0xc5: {  	_ =	shalt  }
tec
execute0_lowered:
.L_overlay_start_1:
0x0: {  	(tag) =	ssettag $0x1  }
0x1: {  	s10 =	stileid.u32  }
0x2: {  	s0 =	rddreg [dreg:$0x0];
	s6 =	smul.u32 $0x1388, s10  }
0x3: {  	s1 =	rddreg [dreg:$0x1];
	s7 =	smul.u32 $0x4E20, s10  }
0x4: {  	s3 =	rddreg [dreg:$0x2];
	s31 =	smul.u32 $0x9C40, s10  }
0x5: {  	s4 =	srdreg.scid;
	s12 =	smul.u32 $0x27100, s10  }
0x6: {  	s26 =	rddreg [dreg:$0x3];
	s14 =	smul.u32 $0x13880, s10  }
0x7: {  	s16 =	simm.s32 $0x0;
	s4 =	sand.u32 $0x1, s4;
	s10 =	smul.u32 $0x9C4, s10  }
0x8: {  	[smem:$0x7FF] =	sst s16;
	s21 =	sadd.s32 $0x27C00, s0;
	s5 =	smul.u32 $0x13880, s4  }
0x9: {  	_ =	strace $0x80000047;
	s7 =	sshrl.u32 s7, $0x3;
	s17 =	sadd.s32 s31, s3  }
0xa: {  	s5 =	sadd.s32 s6, s5;
	s6 =	sadd.s32 s10, s21;
	[dreg:$0x12] =	wrdreg s17  }
0xb: {  	s11 =	sadd.s32 s21, s7;
	[dreg:$0x5] =	wrdreg s6  }
0xc: {  	s7 =	sadd.s32 $0x9C40, s11;
	[dreg:$0x6] =	wrdreg s11  }
0xd: {  	s23 =	sadd.s32 $0x10, s11;
	[dreg:$0x7] =	wrdreg s7  }
0xe: {  	s24 =	sadd.s32 $0x9C50, s11;
	[dreg:$0x8] =	wrdreg s23  }
0xf: {  	s25 =	sadd.s32 $0x20, s11;
	[dreg:$0x9] =	wrdreg s24  }
0x10: {  	s28 =	sadd.s32 $0x9C60, s11;
	[dreg:$0xa] =	wrdreg s25  }
0x11: {  	s8 =	ssub.s32 $0x2, s4;
	s29 =	sadd.s32 $0x30, s11;
	[dreg:$0xb] =	wrdreg s28  }
0x12: {  	s4 =	sshll.u32 s4, $0x6;
	s30 =	sadd.s32 $0x9C70, s11;
	[dreg:$0xc] =	wrdreg s29  }
0x13: {  	s22 =	sshrl.u32 s8, $0x1;
	s2 =	sadd.s32 $0x40, s11;
	[dreg:$0xd] =	wrdreg s30  }
0x14: {  	s4 =	sor.u32 s4, s14;
	s9 =	sadd.s32 $0x9C80, s11;
	[dreg:$0xe] =	wrdreg s2  }
0x15: {  	s4 =	sshrl.u32 s4, $0x3;
	s13 =	sadd.s32 $0x9C90, s11;
	[dreg:$0xf] =	wrdreg s9  }
0x16: {  	s14 =	simm.s32 $0xC;
	s1 =	sadd.s32 s1, s4;
	[dreg:$0x11] =	wrdreg s13  }
0x17: {  	s21 =	sadd.s32 s31, s26;
	s31 =	sadd.s32 $0xA600, s11;
	[dreg:$0x14] =	wrdreg s1  }
0x18: {  	s0 =	sadd.s32 s5, s0;
	s9 =	sadd.s32 $0x50, s11;
	[smem:$0x7FD] =	sst s31  }
0x19: {  	s5 =	ssub.s32 s8, s22;
	s0 =	sadd.s32 $0xA00, s0;
	[dreg:$0x10] =	wrdreg s9  }
0x1a: {  	s10 =	simm.s32 $0x6800;
	s22 =	smax.u32 s5, $0x1;
	[dreg:$0x18] =	wrdreg s0  }
0x1b: {  	s8 =	sshrl.u32 s12, $0x2;
	s23 =	sshrl.u32 s21, $0x3;
	[dreg:$0x19] =	wrdreg s22  }
0x1c: {  	s6 =	simm.s32 $0x800;
	s24 =	sadd.s32 $0x60, s11;
	[dreg:$0x1a] =	wrdreg s23  }
0x1d: {  	s12 =	simm.s32 $0xA;
	s25 =	sadd.s32 $0x9CA0, s11;
	[dreg:$0x1b] =	wrdreg s24  }
0x1e: {  	s4 =	simm.s32 $0x0;
	s28 =	sadd.s32 $0x70, s11;
	[dreg:$0x1c] =	wrdreg s25  }
0x1f: {  	s8 =	sadd.s32 s8, s3;
	s29 =	sadd.s32 $0x9CB0, s11;
	[dreg:$0x1d] =	wrdreg s28  }
0x20: {  	s30 =	sadd.s32 $0x9C0, s11;
	s1 =	simm.s32 $0x80;
	[dreg:$0x1e] =	wrdreg s29  }
0x21: {  	s7 =	simm.s32 $0x11;
	s15 =	sadd.s32 $0x2000, s8;
	[dreg:$0x1f] =	wrdreg s30  }
0x22: {  	s13 =	simm.s32 $0xB;
	s18 =	sadd.s32 $0x4000, s8;
	[dreg:$0x13] =	wrdreg s15  }
0x23: {  	s2 =	simm.s32 $0xD;
	s19 =	sadd.s32 $0x6000, s8;
	[dreg:$0x15] =	wrdreg s18  }
0x24: {  	s20 =	sadd.s32 $0x8000, s8;
	s8 =	simm.s32 $0x2800;
	[dreg:$0x16] =	wrdreg s19  }
0x25: {  	v0 =	vimm.f32 $0.0e+00;
	s9 =	simm.s32 $0x4800;
	[dreg:$0x17] =	wrdreg s20;
	s15 =	simm.s32 $0x9  }
.LBB2_1:
0x26: {  	[smem:$0x7FC] =	sst s4  }
0x27: {  	s0 =	rddreg [dreg:$0x6]  }
0x28: {  	[tilespmem:s16], [sflag:$0x1] =	stream.linear.gather [hbm4b:s0+s16], $0x80, $0x38;
	[tilespmem:$0x1C8C0] =	vst v63  }
0x29: {  	s4 =	rddreg [dreg:$0x7];
	s5 =	simm.s32 $0x400  }
0x2a: {  	[tilespmem:s5], [sflag:$0x1] =	stream.linear.gather [hbm4b:s4+s16], $0x80, $0x38;
	[tilespmem:$0x1C8C0] =	vst v63  }
0x2b: {  	s11 =	rddreg [dreg:$0x8]  }
0x2c: {  	[tilespmem:s1], [sflag:$0x2] =	stream.linear.gather [hbm4b:s11+s16], $0x80, $0x38;
	[tilespmem:$0x1C8C0] =	vst v63  }
0x2d: {  	s18 =	rddreg [dreg:$0x9];
	s19 =	simm.s32 $0x480  }
0x2e: {  	[tilespmem:s19], [sflag:$0x2] =	stream.linear.gather [hbm4b:s18+s16], $0x80, $0x38;
	[tilespmem:$0x1C8C0] =	vst v63  }
0x2f: {  	s20 =	rddreg [dreg:$0xa];
	s21 =	simm.s32 $0x100  }
0x30: {  	[tilespmem:s21], [sflag:$0x3] =	stream.linear.gather [hbm4b:s20+s16], $0x80, $0x38;
	[tilespmem:$0x1C8C0] =	vst v63  }
0x31: {  	s22 =	rddreg [dreg:$0xb];
	s23 =	simm.s32 $0x500  }
0x32: {  	[tilespmem:s23], [sflag:$0x3] =	stream.linear.gather [hbm4b:s22+s16], $0x80, $0x38;
	[tilespmem:$0x1C8C0] =	vst v63  }
0x33: {  	s24 =	rddreg [dreg:$0xc];
	s25 =	simm.s32 $0x180  }
0x34: {  	[tilespmem:s25], [sflag:$0x4] =	stream.linear.gather [hbm4b:s24+s16], $0x80, $0x38;
	[tilespmem:$0x1C8C0] =	vst v63  }
0x35: {  	s28 =	rddreg [dreg:$0xd];
	s29 =	simm.s32 $0x580  }
0x36: {  	[tilespmem:s29], [sflag:$0x4] =	stream.linear.gather [hbm4b:s28+s16], $0x80, $0x38;
	[tilespmem:$0x1C8C0] =	vst v63  }
0x37: {  	s30 =	rddreg [dreg:$0xe];
	s31 =	simm.s32 $0x200  }
0x38: {  	[tilespmem:s31], [sflag:$0x5] =	stream.linear.gather [hbm4b:s30+s16], $0x80, $0x38;
	[tilespmem:$0x1C8C0] =	vst v63  }
0x39: {  	s5 =	rddreg [dreg:$0xf];
	s11 =	simm.s32 $0x600  }
0x3a: {  	[tilespmem:s11], [sflag:$0x5] =	stream.linear.gather [hbm4b:s5+s16], $0x80, $0x38;
	[tilespmem:$0x1C8C0] =	vst v63  }
0x3b: {  	s18 =	rddreg [dreg:$0x10];
	s19 =	simm.s32 $0x280  }
0x3c: {  	[tilespmem:s19], [sflag:$0x6] =	stream.linear.gather [hbm4b:s18+s16], $0x80, $0x38;
	[tilespmem:$0x1C8C0] =	vst v63  }
0x3d: {  	s20 =	rddreg [dreg:$0x11];
	s21 =	simm.s32 $0x680  }
0x3e: {  	[tilespmem:s21], [sflag:$0x6] =	stream.linear.gather [hbm4b:s20+s16], $0x80, $0x38;
	[tilespmem:$0x1C8C0] =	vst v63  }
0x3f: {  	s22 =	rddreg [dreg:$0x1b];
	s23 =	simm.s32 $0x300  }
0x40: {  	[tilespmem:s23], [sflag:$0x7] =	stream.linear.gather [hbm4b:s22+s16], $0x80, $0x38;
	[tilespmem:$0x1C8C0] =	vst v63  }
0x41: {  	s24 =	rddreg [dreg:$0x1c];
	s25 =	simm.s32 $0x700  }
0x42: {  	[tilespmem:s25], [sflag:$0x7] =	stream.linear.gather [hbm4b:s24+s16], $0x80, $0x38;
	[tilespmem:$0x1C8C0] =	vst v63  }
0x43: {  	s0 =	simm.s32 $0x0;
	s28 =	rddreg [dreg:$0x1d];
	s29 =	simm.s32 $0x380  }
0x44: {  	[tilespmem:s29], [sflag:$0x8] =	stream.linear.gather [hbm4b:s28+s16], $0x80, $0x38;
	[tilespmem:$0x1C8C0] =	vst v63  }
0x45: {  	s4 =	simm.s32 $0x100;
	s30 =	rddreg [dreg:$0x1e];
	s31 =	simm.s32 $0x780  }
0x46: {  	[tilespmem:s31], [sflag:$0x8] =	stream.linear.gather [hbm4b:s30+s16], $0x80, $0x38;
	[tilespmem:$0x1C8C0] =	vst v63  }
.LBB2_2:
0x47: {  	p0 =	sne.s32 s4, $0x7F00;
	[tilespmem:s0+$0x830] =	vst v0;
	s5 =	smov.u32 s4;
	s4 =	sadd.s32 $0x100, s4  }
.Ltmp0:
0x48: {  	[tilespmem:s0+$0x820] =	vst v0;
	(pc) =	sbr.rel @p0 .LBB2_2-.Ltmp0, $3  }
0x49: {  	[tilespmem:s0+$0x800] =	vst v0  }
0x4a: {  	[tilespmem:s0+$0x810] =	vst v0;
	_ =	sdelay $0x1  }
0x4b: {  	s0 =	sshra.s32 s5, $0x2  }
0x4c: {  	[tilespmem:s0+$0x830] =	vst v0  }
0x4d: {  	[tilespmem:s0+$0x820] =	vst v0  }
0x4e: {  	[tilespmem:s0+$0x800] =	vst v0  }
0x4f: {  	[tilespmem:s0+$0x810] =	vst v0  }
0x50: {  	[spmem:s17] =	stream.linear.scatter [tilespmem:s6], [sflag:$0x11], $0x2000, $0x38;
	[tilespmem:$0x1C8C0] =	vst v63  }
0x51: {  	_ =	swait.ge [sflag:s7], $0x2000  }
0x52: {  	[sflag:s7] =	ssyncset.done $0x0  }
0x53: {  	s20 =	rddreg [dreg:$0x13];
	[sflag:s7] =	ssyncadd.s32 $0xFFFFE000  }
0x54: {  	[spmem:s20] =	stream.linear.scatter [tilespmem:s6], [sflag:$0x11], $0x2000, $0x38;
	[tilespmem:$0x1C8C0] =	vst v63  }
0x55: {  	_ =	swait.ge [sflag:s7], $0x2000  }
0x56: {  	[sflag:s7] =	ssyncset.done $0x0  }
0x57: {  	s21 =	rddreg [dreg:$0x15];
	[sflag:s7] =	ssyncadd.s32 $0xFFFFE000  }
0x58: {  	[spmem:s21] =	stream.linear.scatter [tilespmem:s6], [sflag:$0x11], $0x2000, $0x38;
	[tilespmem:$0x1C8C0] =	vst v63  }
0x59: {  	_ =	swait.ge [sflag:s7], $0x2000  }
0x5a: {  	[sflag:s7] =	ssyncset.done $0x0  }
0x5b: {  	s22 =	rddreg [dreg:$0x16];
	[sflag:s7] =	ssyncadd.s32 $0xFFFFE000  }
0x5c: {  	[spmem:s22] =	stream.linear.scatter [tilespmem:s6], [sflag:$0x11], $0x2000, $0x38;
	[tilespmem:$0x1C8C0] =	vst v63  }
0x5d: {  	_ =	swait.ge [sflag:s7], $0x2000  }
0x5e: {  	[sflag:s7] =	ssyncset.done $0x0  }
0x5f: {  	s23 =	rddreg [dreg:$0x17];
	[sflag:s7] =	ssyncadd.s32 $0xFFFFE000  }
0x60: {  	[spmem:s23] =	stream.linear.scatter [tilespmem:s6], [sflag:$0x11], $0x1C40, $0x38;
	[tilespmem:$0x1C8C0] =	vst v63  }
0x61: {  	s24 =	stileid.u32;
	_ =	swait.ge [sflag:s7], $0x1C40  }
0x62: {  	s0 =	sshll.u32 s24, $0x6;
	s25 =	rddreg [dreg:$0x18]  }
0x63: {  	s5 =	sor.u32 $0x1C11, s0;
	[sflag:s7] =	ssyncset.done $0x0;
	s4 =	rddreg [dreg:$0x1a]  }
0x64: {  	[smem:$0x7FB] =	sst s5;
	[sflag:s7] =	ssyncadd.s32 $0xFFFFE3C0  }
0x65: {  	[spmem:s4], [sflag:s5] =	dma.local [hbm:s25], $0x1388  }
0x66: {  	s29 =	simm.s32 $0x0;
	_ =	swait.ge [sflag:s7], $0x1388  }
0x67: {  	s30 =	sand.u32 $0x1, s29;
	[sflag:s7] =	ssyncset.done $0x0  }
0x68: {  	s31 =	sshll.u32 s30, $0x2;
	[sflag:s7] =	ssyncadd.s32 $0xFFFFEC78  }
0x69: {  	s0 =	sor.u32 $0x1, s31;
	[bflag:$0x0] =	sbarrier.arrive $0xFFFF  }
0x6a: {  	_ =	swait.ge [sflag:s0], $0x80  }
0x6b: {  	[sflag:s0] =	ssyncset.done $0x0  }
0x6c: {  	[sflag:s0] =	ssyncadd.s32 $0xFFFFFF80  }
0x6d: {  	_ =	swait.ge [sflag:s0], $0x80  }
0x6e: {  	[sflag:s0] =	ssyncset.done $0x0  }
0x6f: {  	s18 =	sshll.u32 s30, $0x9;
	s16 =	sor.u32 $0x2, s31;
	[sflag:s0] =	ssyncadd.s32 $0xFFFFFF80  }
0x70: {  	[tilespmem:s6], [sflag:$0x9] =	stream.indirect.gather [spmem:s26], $0x40, s18, s1, $0xb8;
	[tilespmem:$0x1C8C0] =	vst v63  }
0x71: {  	_ =	swait.ge [sflag:s16], $0x80  }
0x72: {  	[sflag:s16] =	ssyncset.done $0x0  }
0x73: {  	[sflag:s16] =	ssyncadd.s32 $0xFFFFFF80  }
0x74: {  	_ =	swait.ge [sflag:s16], $0x80  }
0x75: {  	[sflag:s16] =	ssyncset.done $0x0  }
0x76: {  	s17 =	sshllo.u32 s30, $0x2;
	s19 =	sshll.u32 s0, $0x7;
	[sflag:s16] =	ssyncadd.s32 $0xFFFFFF80  }
0x77: {  	[tilespmem:s8], [sflag:$0xA] =	stream.indirect.gather [spmem:s26], $0x40, s19, s1, $0xb8;
	[tilespmem:$0x1C8C0] =	vst v63  }
0x78: {  	_ =	swait.ge [sflag:s17], $0x80  }
0x79: {  	[sflag:s17] =	ssyncset.done $0x0  }
0x7a: {  	[sflag:s17] =	ssyncadd.s32 $0xFFFFFF80  }
0x7b: {  	_ =	swait.ge [sflag:s17], $0x80  }
0x7c: {  	[sflag:s17] =	ssyncset.done $0x0  }
0x7d: {  	s20 =	sshll.u32 s16, $0x7;
	s25 =	sadd.s32 $0x4, s31;
	[sflag:s17] =	ssyncadd.s32 $0xFFFFFF80  }
0x7e: {  	[tilespmem:s9], [sflag:$0xB] =	stream.indirect.gather [spmem:s26], $0x40, s20, s1, $0xb8;
	[tilespmem:$0x1C8C0] =	vst v63  }
0x7f: {  	_ =	swait.ge [sflag:s25], $0x80  }
0x80: {  	[sflag:s25] =	ssyncset.done $0x0  }
0x81: {  	[sflag:s25] =	ssyncadd.s32 $0xFFFFFF80  }
0x82: {  	_ =	swait.ge [sflag:s25], $0x80  }
0x83: {  	[sflag:s25] =	ssyncset.done $0x0  }
0x84: {  	s21 =	sshll.u32 s17, $0x7;
	[sflag:s25] =	ssyncadd.s32 $0xFFFFFF80  }
0x85: {  	[tilespmem:s10], [sflag:$0xC] =	stream.indirect.gather [spmem:s26], $0x40, s21, s1, $0xb8;
	[tilespmem:$0x1C8C0] =	vst v63  }
0x86: {  	_ =	swait.ge [sflag:s15], $0x2000  }
0x87: {  	[sflag:s15] =	ssyncset.done $0x0  }
0x88: {  	s4 =	sor.u32 $0x400, s18;
	[sflag:s15] =	ssyncadd.s32 $0xFFFFE000  }
0x89: {  	[spmem:s3] =	stream.indirect.scatter.add.f32 [tilespmem:s6], [sflag:$0xD], $0x40, s4, s1, $0xb8;
	[tilespmem:$0x1C8C0] =	vst v63  }
0x8a: {  	_ =	swait.ge [sflag:s12], $0x2000  }
0x8b: {  	[sflag:s12] =	ssyncset.done $0x0  }
0x8c: {  	s22 =	sor.u32 $0x400, s19;
	[sflag:s12] =	ssyncadd.s32 $0xFFFFE000  }
0x8d: {  	[spmem:s3] =	stream.indirect.scatter.add.f32 [tilespmem:s8], [sflag:$0xE], $0x40, s22, s1, $0xb8;
	[tilespmem:$0x1C8C0] =	vst v63  }
0x8e: {  	_ =	swait.ge [sflag:s13], $0x2000  }
0x8f: {  	[sflag:s13] =	ssyncset.done $0x0  }
0x90: {  	s23 =	sor.u32 $0x400, s20;
	[sflag:s13] =	ssyncadd.s32 $0xFFFFE000  }
0x91: {  	[spmem:s3] =	stream.indirect.scatter.add.f32 [tilespmem:s9], [sflag:$0xF], $0x40, s23, s1, $0xb8;
	[tilespmem:$0x1C8C0] =	vst v63  }
0x92: {  	_ =	swait.ge [sflag:s14], $0x2000  }
0x93: {  	[sflag:s14] =	ssyncset.done $0x0  }
0x94: {  	s28 =	sor.u32 $0x400, s21;
	[sflag:s14] =	ssyncadd.s32 $0xFFFFE000  }
0x95: {  	[spmem:s3] =	stream.indirect.scatter.add.f32 [tilespmem:s10], [sflag:$0x10], $0x40, s28, s1, $0xb8;
	[tilespmem:$0x1C8C0] =	vst v63  }
0x96: {  	_ =	swait.ge [sflag:s2], $0x2000  }
0x97: {  	p1 =	por $0x0, $0x0;
	[sflag:s2] =	ssyncset.done $0x0  }
0x98: {  	s5 =	simm.s32 @p1 $0xE;
	[sflag:s2] =	ssyncadd.s32 $0xFFFFE000  }
0x99: {  	_ =	swait.ge @p1 [sflag:s5], $0x2000  }
0x9a: {  	[sflag:s5] =	ssyncset.done @p1 $0x0  }
0x9b: {  	[sflag:s5] =	ssyncadd.s32 @p1 $0xFFFFE000;
	s5 =	simm.s32 @p1 $0xF  }
0x9c: {  	_ =	swait.ge @p1 [sflag:s5], $0x2000  }
0x9d: {  	[sflag:s5] =	ssyncset.done @p1 $0x0  }
0x9e: {  	s24 =	simm.s32 @p1 $0x10;
	[sflag:s5] =	ssyncadd.s32 @p1 $0xFFFFE000  }
0x9f: {  	_ =	swait.ge @p1 [sflag:s24], $0x2000  }
0xa0: {  	s5 =	rddreg [dreg:$0x5]  }
0xa1: {  	[sflag:s24] =	ssyncset.done @p1 $0x0;
	s29 =	sadd.s32 @!p1 $0x0, s5  }
0xa2: {  	s5 =	simm.s32 @!p1 $0x0;
	[sflag:s24] =	ssyncadd.s32 @p1 $0xFFFFE000;
	s24 =	sadd.s32 @!p1 $0x80, s29  }
0xa3: {  	[tilespmem:s18], [sflag:s0] =	stream.linear.gather @!p1 [hbm4b:s24+s5], $0x80, $0x38;
	[tilespmem:$0x1C8C0] =	vst v63  }
0xa4: {  	s18 =	sadd.s32 @!p1 $0x9CC0, s29  }
0xa5: {  	[tilespmem:s4], [sflag:s0] =	stream.linear.gather @!p1 [hbm4b:s18+s5], $0x80, $0x38;
	[tilespmem:$0x1C8C0] =	vst v63  }
0xa6: {  	s0 =	simm.s32 @!p1 $0xE  }
0xa7: {  	_ =	swait.ge @!p1 [sflag:s0], $0x2000  }
0xa8: {  	[sflag:s0] =	ssyncset.done @!p1 $0x0  }
0xa9: {  	[sflag:s0] =	ssyncadd.s32 @!p1 $0xFFFFE000;
	s0 =	sadd.s32 @!p1 $0x90, s29  }
0xaa: {  	[tilespmem:s19], [sflag:s16] =	stream.linear.gather @!p1 [hbm4b:s0+s5], $0x80, $0x38;
	[tilespmem:$0x1C8C0] =	vst v63  }
0xab: {  	s0 =	sadd.s32 @!p1 $0x9CD0, s29  }
0xac: {  	[tilespmem:s22], [sflag:s16] =	stream.linear.gather @!p1 [hbm4b:s0+s5], $0x80, $0x38;
	[tilespmem:$0x1C8C0] =	vst v63  }
0xad: {  	s0 =	simm.s32 @!p1 $0xF  }
0xae: {  	s11 =	smov.u32 s26;
	s26 =	simm.s32 $0x80;
	_ =	swait.ge @!p1 [sflag:s0], $0x2000  }
0xaf: {  	s15 =	simm.s32 $0xC;
	s12 =	simm.s32 $0x9;
	[sflag:s0] =	ssyncset.done @!p1 $0x0  }
0xb0: {  	s8 =	simm.s32 $0x800;
	[sflag:s0] =	ssyncadd.s32 @!p1 $0xFFFFE000;
	s0 =	sadd.s32 @!p1 $0xA0, s29  }
0xb1: {  	[tilespmem:s20], [sflag:s17] =	stream.linear.gather @!p1 [hbm4b:s0+s5], $0x80, $0x38;
	[tilespmem:$0x1C8C0] =	vst v63  }
0xb2: {  	s13 =	simm.s32 $0xA;
	s9 =	simm.s32 $0x2800;
	s0 =	sadd.s32 @!p1 $0x9CE0, s29  }
0xb3: {  	[tilespmem:s23], [sflag:s17] =	stream.linear.gather @!p1 [hbm4b:s0+s5], $0x80, $0x38;
	[tilespmem:$0x1C8C0] =	vst v63  }
0xb4: {  	s14 =	simm.s32 $0xB;
	s10 =	simm.s32 $0x4800;
	s0 =	simm.s32 @!p1 $0x10  }
0xb5: {  	s2 =	simm.s32 $0xD;
	s24 =	simm.s32 $0x1;
	_ =	swait.ge @!p1 [sflag:s0], $0x2000  }
0xb6: {  	s4 =	sadd.s32 @!p1 $0x9CF0, s29;
	s23 =	simm.s32 $0x40;
	[sflag:s0] =	ssyncset.done @!p1 $0x0  }
0xb7: {  	s17 =	sand.u32 $0x1, s24;
	[sflag:s0] =	ssyncadd.s32 @!p1 $0xFFFFE000;
	s0 =	sadd.s32 @!p1 $0xB0, s29  }
0xb8: {  	[tilespmem:s21], [sflag:s25] =	stream.linear.gather @!p1 [hbm4b:s0+s5], $0x80, $0x38;
	[tilespmem:$0x1C8C0] =	vst v63  }
.LBB2_4:
0xb9: {  	s20 =	sshll.u32 s17, $0x2  }
0xba: {  	[tilespmem:s28], [sflag:s25] =	stream.linear.gather @!p1 [hbm4b:s4+s5], $0x80, $0x38;
	[tilespmem:$0x1C8C0] =	vst v63  }
0xbb: {  	s30 =	sor.u32 $0x1, s20  }
0xbc: {  	_ =	swait.ge [sflag:s30], $0x80  }
0xbd: {  	[sflag:s30] =	ssyncset.done $0x0  }
0xbe: {  	[sflag:s30] =	ssyncadd.s32 $0xFFFFFF80  }
0xbf: {  	_ =	swait.ge [sflag:s30], $0x80  }
0xc0: {  	[sflag:s30] =	ssyncset.done $0x0  }
0xc1: {  	s16 =	sshll.u32 s17, $0x9;
	s31 =	sor.u32 $0x2, s20;
	[sflag:s30] =	ssyncadd.s32 $0xFFFFFF80  }
0xc2: {  	[tilespmem:s8], [sflag:$0x9] =	stream.indirect.gather [spmem:s11], $0x40, s16, s1, $0xb8;
	[tilespmem:$0x1C8C0] =	vst v63  }
0xc3: {  	_ =	swait.ge [sflag:s31], $0x80  }
0xc4: {  	[sflag:s31] =	ssyncset.done $0x0  }
0xc5: {  	[sflag:s31] =	ssyncadd.s32 $0xFFFFFF80  }
0xc6: {  	_ =	swait.ge [sflag:s31], $0x80  }
0xc7: {  	[sflag:s31] =	ssyncset.done $0x0  }
0xc8: {  	s0 =	sshllo.u32 s17, $0x2;
	s18 =	sshll.u32 s30, $0x7;
	[sflag:s31] =	ssyncadd.s32 $0xFFFFFF80  }
0xc9: {  	[tilespmem:s9], [sflag:$0xA] =	stream.indirect.gather [spmem:s11], $0x40, s18, s1, $0xb8;
	[tilespmem:$0x1C8C0] =	vst v63  }
0xca: {  	_ =	swait.ge [sflag:s0], $0x80  }
0xcb: {  	[sflag:s0] =	ssyncset.done $0x0  }
0xcc: {  	[sflag:s0] =	ssyncadd.s32 $0xFFFFFF80  }
0xcd: {  	_ =	swait.ge [sflag:s0], $0x80  }
0xce: {  	[sflag:s0] =	ssyncset.done $0x0  }
0xcf: {  	s25 =	sadd.s32 $0x4, s20;
	s19 =	sshll.u32 s31, $0x7;
	[sflag:s0] =	ssyncadd.s32 $0xFFFFFF80  }
0xd0: {  	[tilespmem:s10], [sflag:$0xB] =	stream.indirect.gather [spmem:s11], $0x40, s19, s1, $0xb8;
	[tilespmem:$0x1C8C0] =	vst v63  }
0xd1: {  	_ =	swait.ge [sflag:s25], $0x80  }
0xd2: {  	[sflag:s25] =	ssyncset.done $0x0  }
0xd3: {  	[sflag:s25] =	ssyncadd.s32 $0xFFFFFF80  }
0xd4: {  	_ =	swait.ge [sflag:s25], $0x80  }
0xd5: {  	[sflag:s25] =	ssyncset.done $0x0  }
0xd6: {  	s7 =	simm.s32 $0x6800;
	s20 =	sshll.u32 s0, $0x7;
	[sflag:s25] =	ssyncadd.s32 $0xFFFFFF80  }
0xd7: {  	[tilespmem:s7], [sflag:$0xC] =	stream.indirect.gather [spmem:s11], $0x40, s20, s1, $0xb8;
	[tilespmem:$0x1C8C0] =	vst v63  }
0xd8: {  	_ =	swait.ge [sflag:s12], $0x2000  }
0xd9: {  	[sflag:s12] =	ssyncset.done $0x0  }
0xda: {  	s21 =	sor.u32 $0x400, s16;
	[sflag:s12] =	ssyncadd.s32 $0xFFFFE000  }
0xdb: {  	[spmem:s3] =	stream.indirect.scatter.add.f32 [tilespmem:s8], [sflag:$0xD], $0x40, s21, s1, $0xb8;
	[tilespmem:$0x1C8C0] =	vst v63  }
0xdc: {  	_ =	swait.ge [sflag:s13], $0x2000  }
0xdd: {  	[sflag:s13] =	ssyncset.done $0x0  }
0xde: {  	s22 =	sor.u32 $0x400, s18;
	[sflag:s13] =	ssyncadd.s32 $0xFFFFE000  }
0xdf: {  	[spmem:s3] =	stream.indirect.scatter.add.f32 [tilespmem:s9], [sflag:$0xE], $0x40, s22, s1, $0xb8;
	[tilespmem:$0x1C8C0] =	vst v63  }
0xe0: {  	_ =	swait.ge [sflag:s14], $0x2000  }
0xe1: {  	[sflag:s14] =	ssyncset.done $0x0  }
0xe2: {  	s17 =	sor.u32 $0x400, s19;
	[sflag:s14] =	ssyncadd.s32 $0xFFFFE000  }
0xe3: {  	[spmem:s3] =	stream.indirect.scatter.add.f32 [tilespmem:s10], [sflag:$0xF], $0x40, s17, s1, $0xb8;
	[tilespmem:$0x1C8C0] =	vst v63  }
0xe4: {  	_ =	swait.ge [sflag:s15], $0x2000  }
0xe5: {  	[sflag:s15] =	ssyncset.done $0x0  }
0xe6: {  	s28 =	sor.u32 $0x400, s20;
	[sflag:s15] =	ssyncadd.s32 $0xFFFFE000  }
0xe7: {  	[spmem:s3] =	stream.indirect.scatter.add.f32 [tilespmem:s7], [sflag:$0x10], $0x40, s28, s1, $0xb8;
	[tilespmem:$0x1C8C0] =	vst v63  }
0xe8: {  	_ =	swait.ge [sflag:s2], $0x2000  }
0xe9: {  	p1 =	sgt.u32 s24, $0x24;
	[sflag:s2] =	ssyncset.done $0x0  }
0xea: {  	s4 =	simm.s32 @p1 $0xE;
	[sflag:s2] =	ssyncadd.s32 $0xFFFFE000  }
0xeb: {  	_ =	swait.ge @p1 [sflag:s4], $0x2000  }
0xec: {  	[sflag:s4] =	ssyncset.done @p1 $0x0  }
0xed: {  	[sflag:s4] =	ssyncadd.s32 @p1 $0xFFFFE000;
	s4 =	simm.s32 @p1 $0xF  }
0xee: {  	_ =	swait.ge @p1 [sflag:s4], $0x2000  }
0xef: {  	[sflag:s4] =	ssyncset.done @p1 $0x0  }
0xf0: {  	[sflag:s4] =	ssyncadd.s32 @p1 $0xFFFFE000;
	s4 =	simm.s32 @p1 $0x10  }
0xf1: {  	_ =	swait.ge @p1 [sflag:s4], $0x2000  }
0xf2: {  	s5 =	rddreg [dreg:$0x5]  }
0xf3: {  	[sflag:s4] =	ssyncset.done @p1 $0x0;
	s7 =	sadd.s32 @!p1 s23, s5  }
0xf4: {  	s5 =	simm.s32 @!p1 $0x0;
	[sflag:s4] =	ssyncadd.s32 @p1 $0xFFFFE000;
	s23 =	sadd.s32 @!p1 $0x80, s7  }
0xf5: {  	[tilespmem:s16], [sflag:s30] =	stream.linear.gather @!p1 [hbm4b:s23+s5], $0x80, $0x38;
	[tilespmem:$0x1C8C0] =	vst v63  }
0xf6: {  	s6 =	simm.s32 @!p1 $0xE;
	s16 =	sadd.s32 @!p1 $0x9CC0, s7  }
0xf7: {  	[tilespmem:s21], [sflag:s30] =	stream.linear.gather @!p1 [hbm4b:s16+s5], $0x80, $0x38;
	[tilespmem:$0x1C8C0] =	vst v63  }
0xf8: {  	_ =	swait.ge @!p1 [sflag:s6], $0x2000  }
0xf9: {  	[sflag:s6] =	ssyncset.done @!p1 $0x0  }
0xfa: {  	[sflag:s6] =	ssyncadd.s32 @!p1 $0xFFFFE000;
	s6 =	sadd.s32 @!p1 $0x90, s7  }
0xfb: {  	[tilespmem:s18], [sflag:s31] =	stream.linear.gather @!p1 [hbm4b:s6+s5], $0x80, $0x38;
	[tilespmem:$0x1C8C0] =	vst v63  }
0xfc: {  	s16 =	simm.s32 @!p1 $0xF;
	s6 =	sadd.s32 @!p1 $0x9CD0, s7  }
0xfd: {  	[tilespmem:s22], [sflag:s31] =	stream.linear.gather @!p1 [hbm4b:s6+s5], $0x80, $0x38;
	[tilespmem:$0x1C8C0] =	vst v63  }
0xfe: {  	_ =	swait.ge @!p1 [sflag:s16], $0x2000  }
0xff: {  	s29 =	smov.u32 s26;
	[sflag:s16] =	ssyncset.done @!p1 $0x0  }
0x100: {  	s26 =	sadd.s32 $0x40, s26;
	s6 =	sadd.s32 @!p1 $0xA0, s7;
	[sflag:s16] =	ssyncadd.s32 @!p1 $0xFFFFE000  }
0x101: {  	[tilespmem:s19], [sflag:s0] =	stream.linear.gather @!p1 [hbm4b:s6+s5], $0x80, $0x38;
	[tilespmem:$0x1C8C0] =	vst v63  }
0x102: {  	p0 =	sne.s32 s26, $0x9C0;
	s6 =	sadd.s32 @!p1 $0x9CE0, s7  }
0x103: {  	[tilespmem:s17], [sflag:s0] =	stream.linear.gather @!p1 [hbm4b:s6+s5], $0x80, $0x38;
	[tilespmem:$0x1C8C0] =	vst v63  }
.Ltmp1:
0x104: {  	s16 =	simm.s32 @!p1 $0x10;
	(pc) =	sbr.rel @p0 .LBB2_4-.Ltmp1, $4  }
0x105: {  	s24 =	sadd.s32 $0x1, s24;
	_ =	swait.ge @!p1 [sflag:s16], $0x2000  }
0x106: {  	s4 =	sadd.s32 @!p1 $0x9CF0, s7;
	s23 =	smov.u32 s29;
	[sflag:s16] =	ssyncset.done @!p1 $0x0  }
0x107: {  	s17 =	sand.u32 $0x1, s24;
	s0 =	sadd.s32 @!p1 $0xB0, s7;
	[sflag:s16] =	ssyncadd.s32 @!p1 $0xFFFFE000  }
0x108: {  	[tilespmem:s20], [sflag:s25] =	stream.linear.gather @!p1 [hbm4b:s0+s5], $0x80, $0x38;
	[tilespmem:$0x1C8C0] =	vst v63  }
0x109: {  	s6 =	sshll.u32 s17, $0x2  }
0x10a: {  	[tilespmem:s28], [sflag:s25] =	stream.linear.gather @!p1 [hbm4b:s4+s5], $0x80, $0x38;
	[tilespmem:$0x1C8C0] =	vst v63  }
0x10b: {  	s0 =	sor.u32 $0x1, s6  }
0x10c: {  	_ =	swait.ge [sflag:s0], $0x80  }
0x10d: {  	[sflag:s0] =	ssyncset.done $0x0  }
0x10e: {  	[sflag:s0] =	ssyncadd.s32 $0xFFFFFF80  }
0x10f: {  	_ =	swait.ge [sflag:s0], $0x80  }
0x110: {  	[sflag:s0] =	ssyncset.done $0x0  }
0x111: {  	s18 =	sshll.u32 s17, $0x9;
	s5 =	sor.u32 $0x2, s6;
	[sflag:s0] =	ssyncadd.s32 $0xFFFFFF80  }
0x112: {  	[tilespmem:s8], [sflag:$0x9] =	stream.indirect.gather [spmem:s11], $0x40, s18, s1, $0xb8;
	[tilespmem:$0x1C8C0] =	vst v63  }
0x113: {  	_ =	swait.ge [sflag:s5], $0x80  }
0x114: {  	[sflag:s5] =	ssyncset.done $0x0  }
0x115: {  	[sflag:s5] =	ssyncadd.s32 $0xFFFFFF80  }
0x116: {  	_ =	swait.ge [sflag:s5], $0x80  }
0x117: {  	[sflag:s5] =	ssyncset.done $0x0  }
0x118: {  	s16 =	sshllo.u32 s17, $0x2;
	s19 =	sshll.u32 s0, $0x7;
	[sflag:s5] =	ssyncadd.s32 $0xFFFFFF80  }
0x119: {  	[tilespmem:s9], [sflag:$0xA] =	stream.indirect.gather [spmem:s11], $0x40, s19, s1, $0xb8;
	[tilespmem:$0x1C8C0] =	vst v63  }
0x11a: {  	_ =	swait.ge [sflag:s16], $0x80  }
0x11b: {  	[sflag:s16] =	ssyncset.done $0x0  }
0x11c: {  	[sflag:s16] =	ssyncadd.s32 $0xFFFFFF80  }
0x11d: {  	_ =	swait.ge [sflag:s16], $0x80  }
0x11e: {  	[sflag:s16] =	ssyncset.done $0x0  }
0x11f: {  	s17 =	sadd.s32 $0x4, s6;
	s20 =	sshll.u32 s5, $0x7;
	[sflag:s16] =	ssyncadd.s32 $0xFFFFFF80  }
0x120: {  	[tilespmem:s10], [sflag:$0xB] =	stream.indirect.gather [spmem:s11], $0x40, s20, s1, $0xb8;
	[tilespmem:$0x1C8C0] =	vst v63  }
0x121: {  	_ =	swait.ge [sflag:s17], $0x80  }
0x122: {  	[sflag:s17] =	ssyncset.done $0x0  }
0x123: {  	[sflag:s17] =	ssyncadd.s32 $0xFFFFFF80  }
0x124: {  	_ =	swait.ge [sflag:s17], $0x80  }
0x125: {  	[sflag:s17] =	ssyncset.done $0x0  }
0x126: {  	s31 =	simm.s32 $0x6800;
	s21 =	sshll.u32 s16, $0x7;
	[sflag:s17] =	ssyncadd.s32 $0xFFFFFF80  }
0x127: {  	[tilespmem:s31], [sflag:$0xC] =	stream.indirect.gather [spmem:s11], $0x40, s21, s1, $0xb8;
	[tilespmem:$0x1C8C0] =	vst v63  }
0x128: {  	_ =	swait.ge [sflag:s12], $0x2000  }
0x129: {  	[sflag:s12] =	ssyncset.done $0x0  }
0x12a: {  	s4 =	sor.u32 $0x400, s18;
	[sflag:s12] =	ssyncadd.s32 $0xFFFFE000  }
0x12b: {  	[spmem:s3] =	stream.indirect.scatter.add.f32 [tilespmem:s8], [sflag:$0xD], $0x40, s4, s1, $0xb8;
	[tilespmem:$0x1C8C0] =	vst v63  }
0x12c: {  	_ =	swait.ge [sflag:s13], $0x2000  }
0x12d: {  	[sflag:s13] =	ssyncset.done $0x0  }
0x12e: {  	s6 =	sor.u32 $0x400, s19;
	[sflag:s13] =	ssyncadd.s32 $0xFFFFE000  }
0x12f: {  	[spmem:s3] =	stream.indirect.scatter.add.f32 [tilespmem:s9], [sflag:$0xE], $0x40, s6, s1, $0xb8;
	[tilespmem:$0x1C8C0] =	vst v63  }
0x130: {  	_ =	swait.ge [sflag:s14], $0x2000  }
0x131: {  	[sflag:s14] =	ssyncset.done $0x0  }
0x132: {  	s7 =	sor.u32 $0x400, s20;
	[sflag:s14] =	ssyncadd.s32 $0xFFFFE000  }
0x133: {  	[spmem:s3] =	stream.indirect.scatter.add.f32 [tilespmem:s10], [sflag:$0xF], $0x40, s7, s1, $0xb8;
	[tilespmem:$0x1C8C0] =	vst v63  }
0x134: {  	_ =	swait.ge [sflag:s15], $0x2000  }
0x135: {  	[sflag:s15] =	ssyncset.done $0x0  }
0x136: {  	s22 =	sor.u32 $0x400, s21;
	[sflag:s15] =	ssyncadd.s32 $0xFFFFE000  }
0x137: {  	[spmem:s3] =	stream.indirect.scatter.add.f32 [tilespmem:s31], [sflag:$0x10], $0x40, s22, s1, $0xb8;
	[tilespmem:$0x1C8C0] =	vst v63  }
0x138: {  	_ =	swait.ge [sflag:s2], $0x2000  }
0x139: {  	p0 =	sgt.u32 s24, $0x24;
	[sflag:s2] =	ssyncset.done $0x0  }
0x13a: {  	s24 =	simm.s32 @p0 $0xE;
	[sflag:s2] =	ssyncadd.s32 $0xFFFFE000  }
0x13b: {  	_ =	swait.ge @p0 [sflag:s24], $0x2000  }
0x13c: {  	[sflag:s24] =	ssyncset.done @p0 $0x0  }
0x13d: {  	[sflag:s24] =	ssyncadd.s32 @p0 $0xFFFFE000;
	s24 =	simm.s32 @p0 $0xF  }
0x13e: {  	_ =	swait.ge @p0 [sflag:s24], $0x2000  }
0x13f: {  	[sflag:s24] =	ssyncset.done @p0 $0x0  }
0x140: {  	[sflag:s24] =	ssyncadd.s32 @p0 $0xFFFFE000;
	s24 =	simm.s32 @p0 $0x10  }
0x141: {  	_ =	swait.ge @p0 [sflag:s24], $0x2000  }
0x142: {  	s25 =	rddreg [dreg:$0x5]  }
0x143: {  	[sflag:s24] =	ssyncset.done @p0 $0x0;
	s23 =	sadd.s32 @!p0 s23, s25  }
0x144: {  	s25 =	simm.s32 @!p0 $0x0;
	[sflag:s24] =	ssyncadd.s32 @p0 $0xFFFFE000;
	s24 =	sadd.s32 @!p0 $0x80, s23  }
0x145: {  	[tilespmem:s18], [sflag:s0] =	stream.linear.gather @!p0 [hbm4b:s24+s25], $0x80, $0x38;
	[tilespmem:$0x1C8C0] =	vst v63  }
0x146: {  	s18 =	sadd.s32 @!p0 $0x9CC0, s23  }
0x147: {  	[tilespmem:s4], [sflag:s0] =	stream.linear.gather @!p0 [hbm4b:s18+s25], $0x80, $0x38;
	[tilespmem:$0x1C8C0] =	vst v63  }
0x148: {  	s0 =	simm.s32 @!p0 $0xE  }
0x149: {  	_ =	swait.ge @!p0 [sflag:s0], $0x2000  }
0x14a: {  	[sflag:s0] =	ssyncset.done @!p0 $0x0  }
0x14b: {  	[sflag:s0] =	ssyncadd.s32 @!p0 $0xFFFFE000;
	s0 =	sadd.s32 @!p0 $0x90, s23  }
0x14c: {  	[tilespmem:s19], [sflag:s5] =	stream.linear.gather @!p0 [hbm4b:s0+s25], $0x80, $0x38;
	[tilespmem:$0x1C8C0] =	vst v63  }
0x14d: {  	s0 =	sadd.s32 @!p0 $0x9CD0, s23  }
0x14e: {  	[tilespmem:s6], [sflag:s5] =	stream.linear.gather @!p0 [hbm4b:s0+s25], $0x80, $0x38;
	[tilespmem:$0x1C8C0] =	vst v63  }
0x14f: {  	s0 =	simm.s32 @!p0 $0xF  }
0x150: {  	_ =	swait.ge @!p0 [sflag:s0], $0x2000  }
0x151: {  	[sflag:s0] =	ssyncset.done @!p0 $0x0  }
0x152: {  	[sflag:s0] =	ssyncadd.s32 @!p0 $0xFFFFE000;
	s0 =	sadd.s32 @!p0 $0xA0, s23  }
0x153: {  	[tilespmem:s20], [sflag:s16] =	stream.linear.gather @!p0 [hbm4b:s0+s25], $0x80, $0x38;
	[tilespmem:$0x1C8C0] =	vst v63  }
0x154: {  	s0 =	sadd.s32 @!p0 $0x9CE0, s23  }
0x155: {  	[tilespmem:s7], [sflag:s16] =	stream.linear.gather @!p0 [hbm4b:s0+s25], $0x80, $0x38;
	[tilespmem:$0x1C8C0] =	vst v63  }
0x156: {  	s0 =	simm.s32 @!p0 $0x10  }
0x157: {  	_ =	swait.ge @!p0 [sflag:s0], $0x2000  }
0x158: {  	[sflag:s0] =	ssyncset.done @!p0 $0x0  }
0x159: {  	[sflag:s0] =	ssyncadd.s32 @!p0 $0xFFFFE000;
	s0 =	sadd.s32 @!p0 $0xB0, s23  }
0x15a: {  	[tilespmem:s21], [sflag:s17] =	stream.linear.gather @!p0 [hbm4b:s0+s25], $0x80, $0x38;
	[tilespmem:$0x1C8C0] =	vst v63  }
0x15b: {  	s18 =	simm.s32 $0x8800;
	s0 =	sadd.s32 @!p0 $0x9CF0, s23  }
0x15c: {  	[tilespmem:s22], [sflag:s17] =	stream.linear.gather @!p0 [hbm4b:s0+s25], $0x80, $0x38;
	[tilespmem:$0x1C8C0] =	vst v63  }
0x15d: {  	s16 =	simm.s32 $0x0;
	s7 =	simm.s32 $0x11;
	s17 =	rddreg [dreg:$0x1f]  }
0x15e: {  	[tilespmem:s18], [sflag:$0x11] =	stream.linear.gather [hbm4b:s17+s16], $0x20, $0x38;
	[tilespmem:$0x1C8C0] =	vst v63  }
0x15f: {  	_ =	swait.ge [sflag:s7], $0x20  }
0x160: {  	s19 =	sld [smem:$0x7FD]  }
0x161: {  	[sflag:s7] =	ssyncset.done $0x0  }
0x162: {  	s20 =	simm.s32 $0x8820;
	[sflag:s7] =	ssyncadd.s32 $0xFFFFFFE0  }
0x163: {  	[tilespmem:s20], [sflag:$0x11] =	stream.linear.gather [hbm4b:s19+s16], $0x20, $0x38;
	[tilespmem:$0x1C8C0] =	vst v63  }
0x164: {  	_ =	swait.ge [sflag:s7], $0x20  }
0x165: {  	[sflag:s7] =	ssyncset.done $0x0  }
0x166: {  	s21 =	simm.s32 $0x20;
	s22 =	simm.s32 $0x8840;
	[sflag:s7] =	ssyncadd.s32 $0xFFFFFFE0  }
0x167: {  	[tilespmem:s22], [sflag:$0x11] =	stream.indirect.gather [spmem:s11], $0x40, s18, s21, $0xb8;
	[tilespmem:$0x1C8C0] =	vst v63  }
0x168: {  	_ =	swait.ge [sflag:s7], $0x800  }
0x169: {  	[sflag:s7] =	ssyncset.done $0x0  }
0x16a: {  	[sflag:s7] =	ssyncadd.s32 $0xFFFFF800  }
0x16b: {  	[spmem:s3] =	stream.indirect.scatter.add.f32 [tilespmem:s22], [sflag:$0x11], $0x40, s20, s21, $0xb8;
	[tilespmem:$0x1C8C0] =	vst v63  }
0x16c: {  	_ =	swait.ge [sflag:s7], $0x800  }
0x16d: {  	[sflag:s7] =	ssyncset.done $0x0  }
0x16e: {  	[sflag:s7] =	ssyncadd.s32 $0xFFFFF800  }
0x16f: {  	[bflag:$0x0] =	sbarrier.arrive $0xFFFF  }
0x170: {  	s29 =	sld [smem:$0x7FB]  }
0x171: {  	s26 =	simm.s32 $0x10;
	s28 =	simm.s32 $0x8;
	s17 =	rddreg [dreg:$0x12]  }
0x172: {  	s25 =	simm.s32 $0x1;
	s24 =	rddreg [dreg:$0x14];
	s23 =	sshrl.u32 s17, $0x3  }
0x173: {  	[hbm:s24@s26], [sflag:s29] =	dma.strided [spmem:s23@s28], $0x1388, s25, $0x8   }
0x174: {  	_ =	swait.ge [sflag:s7], $0x1388  }
0x175: {  	s30 =	sld [smem:$0x7FC];
	_ =	sdelay $0x2  }
0x176: {  	s31 =	rddreg [dreg:$0x19];
	s4 =	sadd.s32 $0x1, s30  }
0x177: {  	p0 =	sne.s32 s4, s31  }
.Ltmp2:
0x178: {  	_ = 	snop;
	(pc) =	sbr.rel @p0 .LBB2_1-.Ltmp2, $4  }
0x179: {  	s12 =	simm.s32 $0xA;
	s8 =	simm.s32 $0x2800;
	s13 =	simm.s32 $0xB  }
0x17a: {  	s9 =	simm.s32 $0x4800;
	s14 =	simm.s32 $0xC;
	s10 =	simm.s32 $0x6800  }
0x17b: {  	s15 =	simm.s32 $0x9;
	s2 =	simm.s32 $0xD;
	[sflag:s7] =	ssyncset.done $0x0  }
0x17c: {  	s6 =	simm.s32 $0x800;
	s26 =	smov.u32 s11;
	[sflag:s7] =	ssyncadd.s32 $0xFFFFEC78  }
0x17d: {  	_ =	sfence.sel $0x180000  }
0x17e: {  	[bflag:$0x0] =	sbarrier.arrive $0xFFFF  }
0x17f: {  	_ =	strace $0x90000047  }
0x180: {  	s0 =	stileid.u32;
	[bflag:$0x2] =	sbarrier.arrive $0xFFFF  }
0x181: {  	p0 =	sne.s32 s0, $0x0;
	s0 =	rddreg [dreg:$0x4]  }
0x182: {  	s0 =	sadd.s32 @!p0 $0x100000, s0  }
0x183: {  	[sflag:s0] =	ssyncadd.tile.s32 @!p0 $0x1;
	_ =	shalt  }
.Lfunc_end2:
_tile_overlayer_lowered:
.L_overlay_start_2:
0x184: {  	(tag) =	ssettag $0x2  }
0x185: {  	s0 =	rddreg [dreg:$0x0];
	s2 =	stileid.u32  }
0x186: {  	s1 =	rddreg [dreg:$0x1];
	p0 =	sne.s32 s2, $0x0  }
0x187: {  	s3 =	rddreg [dreg:$0x2];
	[bflag:$0x3] =	sbarrier.arrive $0xFFFF;
	s2 =	simm.s32 @!p0 $0x1C11  }
0x188: {  	[timem:s3], [sflag:s2] =	dma.local @!p0 [hbm:s0], s1  }
0x189: {  	s0 =	simm.s32 @!p0 $0x11  }
0x18a: {  	_ =	swait.ge @!p0 [sflag:s0], s1  }
0x18b: {  	s1 =	ssub.s32 @!p0 $0x0, s1;
	[sflag:s0] =	ssyncset.done @!p0 $0x0  }
0x18c: {  	[sflag:s0] =	ssyncadd.s32 @!p0 s1  }
0x18d: {  	[bflag:$0x3] =	sbarrier.arrive $0xFFFF  }
0x18e: {  	_ =	shalt  }

</sc_bundles>
